<compile_context>
chip_gen: v7x
topology: tpu7x:2x2x1
jax: 0.10.2.dev20260603
libtpu: 0.0.44.dev20260713+nightly
codegen_flags: <defaults>
</compile_context>

<pallas_src>
import jax
import jax.numpy as jnp
from jax import lax
from jax.experimental import pallas as pl
from jax.experimental.pallas import tpu as pltpu
from jax.experimental.pallas import tpu_sc as plsc

V = 10000
E = 5000
NNZ = 320000
D = 128

NC = 2
NS = 16
NW = NC * NS
EP = 5120
VP = 10240
EP_T = EP // NS
VP_T = VP // NS
YREP = 1

f32 = jnp.float32


def _sc_mesh():
    return plsc.VectorSubcoreMesh(core_axis_name="c", subcore_axis_name="s")


def _hist_body(src_hbm, dst_hbm, zv_hbm, ze_hbm, outv, oute,
               idx_s, idx_d, ones_v, hv_sh, he_sh):
    cid = lax.axis_index("c")
    sid = lax.axis_index("s")
    wid = cid * NS + sid
    pltpu.sync_copy(zv_hbm, hv_sh.at[pl.ds(sid * VP_T, VP_T)])

    @pl.when(sid == 0)
    def _():
        pltpu.sync_copy(ze_hbm, he_sh)

    pltpu.sync_copy(src_hbm.at[wid], idx_s)
    pltpu.sync_copy(dst_hbm.at[wid], idx_d)
    for k in range(G2 // 16):
        ones_v[pl.ds(k * 16, 16)] = jnp.full((16,), 1.0, f32)
    plsc.subcore_barrier()

    @pl.loop(0, NB2)
    def _(g):
        pltpu.sync_copy(ones_v, hv_sh.at[idx_s.at[g]], add=True)
        pltpu.sync_copy(ones_v, he_sh.at[idx_d.at[g]], add=True)

    plsc.subcore_barrier()
    pltpu.sync_copy(hv_sh.at[pl.ds(sid * VP_T, VP_T)],
                    outv.at[pl.ds(cid * VP + sid * VP_T, VP_T)])

    @pl.when(sid == 0)
    def _():
        pltpu.sync_copy(he_sh, oute.at[pl.ds(cid * EP, EP)])


def _hist(src3, dst3, zv, ze):
    k = pl.kernel(
        _hist_body,
        out_type=(jax.ShapeDtypeStruct((NC * VP,), f32),
                  jax.ShapeDtypeStruct((NC * EP,), f32)),
        mesh=_sc_mesh(),
        scratch_types=[
            pltpu.VMEM((NB2, G2), jnp.int32),
            pltpu.VMEM((NB2, G2), jnp.int32),
            pltpu.VMEM((G2,), f32),
            pltpu.VMEM_SHARED((VP,), f32),
            pltpu.VMEM_SHARED((EP,), f32),
        ],
    )
    return k(src3, dst3, zv, ze)


def _v2e_body(xt_hbm, src_hbm, dst_hbm, dv_hbm, zr_hbm, zs_hbm,
              outy, outs,
              idx_s, idx_d, rows_a, rows_b, vals_a, vals_b, y_sh, s_sh,
              sg, sv):
    cid = lax.axis_index("c")
    sid = lax.axis_index("s")
    wid = cid * NS + sid
    pltpu.sync_copy(zr_hbm, y_sh.at[pl.ds(sid * EP_T, EP_T)])

    @pl.when(sid == 0)
    def _():
        pltpu.sync_copy(zs_hbm, s_sh)

    pltpu.sync_copy(src_hbm.at[wid], idx_s)
    pltpu.sync_copy(dst_hbm.at[wid], idx_d)
    pltpu.async_copy(xt_hbm.at[idx_s.at[0]], rows_a, sg)
    pltpu.async_copy(dv_hbm.at[idx_s.at[0]], vals_a, sv)
    plsc.subcore_barrier()

    def step(g, rcur, vcur, rnxt, vnxt, last):
        pltpu.make_async_copy(xt_hbm.at[idx_s.at[g]], rcur, sg).wait()
        pltpu.make_async_copy(dv_hbm.at[idx_s.at[g]], vcur, sv).wait()
        if not last:
            pltpu.async_copy(xt_hbm.at[idx_s.at[g + 1]], rnxt, sg)
            pltpu.async_copy(dv_hbm.at[idx_s.at[g + 1]], vnxt, sv)
        pltpu.sync_copy(rcur, y_sh.at[idx_d.at[g]], add=True)
        pltpu.sync_copy(vcur, s_sh.at[idx_d.at[g]], add=True)

    @pl.loop(0, (NB2 - 2) // 2)
    def _(p):
        step(2 * p, rows_a, vals_a, rows_b, vals_b, False)
        step(2 * p + 1, rows_b, vals_b, rows_a, vals_a, False)

    step(NB2 - 2, rows_a, vals_a, rows_b, vals_b, False)
    step(NB2 - 1, rows_b, vals_b, None, None, True)

    plsc.subcore_barrier()
    pltpu.sync_copy(y_sh.at[pl.ds(sid * EP_T, EP_T)],
                    outy.at[cid, pl.ds(sid * EP_T, EP_T)])

    @pl.when(sid == 0)
    def _():
        pltpu.sync_copy(s_sh, outs.at[pl.ds(cid * EP, EP)])


def _v2e(xt, src3, dst3, dv1, zr, zs):
    k = pl.kernel(
        _v2e_body,
        out_type=(jax.ShapeDtypeStruct((NC, EP, D), f32),
                  jax.ShapeDtypeStruct((NC * EP,), f32)),
        mesh=_sc_mesh(),
        scratch_types=[
            pltpu.VMEM((NB2, G2), jnp.int32),
            pltpu.VMEM((NB2, G2), jnp.int32),
            pltpu.VMEM((G2, D), f32),
            pltpu.VMEM((G2, D), f32),
            pltpu.VMEM((G2,), f32),
            pltpu.VMEM((G2,), f32),
            pltpu.VMEM_SHARED((EP, D), f32),
            pltpu.VMEM_SHARED((EP,), f32),
            pltpu.SemaphoreType.DMA,
            pltpu.SemaphoreType.DMA,
        ],
    )
    return k(xt, src3, dst3, dv1, zr, zs)


G2 = 128
NNZP = NW * VP
NB2 = VP // G2
NCH = 8
CB = 10


def _e2v_body(y_hbm, src_hbm, dst_hbm, zr_hbm, outx,
              idx_s, idx_d, rows_a, rows_b, x_sh, sg):
    cid = lax.axis_index("c")
    sid = lax.axis_index("s")
    wid = cid * NS + sid
    pltpu.sync_copy(zr_hbm, x_sh.at[pl.ds(sid * VP_T, VP_T)])
    plsc.subcore_barrier()

    @pl.loop(0, NCH)
    def _(c):
        pltpu.sync_copy(src_hbm.at[wid, c], idx_s)
        pltpu.sync_copy(dst_hbm.at[wid, c], idx_d)
        pltpu.async_copy(y_hbm.at[idx_d.at[0]], rows_a, sg)

        def step(g, rcur, rnxt, last):
            pltpu.make_async_copy(y_hbm.at[idx_d.at[g]], rcur, sg).wait()
            if not last:
                pltpu.async_copy(y_hbm.at[idx_d.at[g + 1]], rnxt, sg)
            pltpu.sync_copy(rcur, x_sh.at[idx_s.at[g]], add=True)

        @pl.loop(0, (CB - 2) // 2)
        def _(p):
            step(2 * p, rows_a, rows_b, False)
            step(2 * p + 1, rows_b, rows_a, False)

        step(CB - 2, rows_a, rows_b, False)
        step(CB - 1, rows_b, None, True)

    plsc.subcore_barrier()
    pltpu.sync_copy(x_sh.at[pl.ds(sid * VP_T, VP_T)],
                    outx.at[cid, pl.ds(sid * VP_T, VP_T)])


def _e2v(ynorm, src4, dst4, zrv):
    k = pl.kernel(
        _e2v_body,
        out_type=jax.ShapeDtypeStruct((NC, VP, D), f32),
        mesh=_sc_mesh(),
        scratch_types=[
            pltpu.VMEM((CB, G2), jnp.int32),
            pltpu.VMEM((CB, G2), jnp.int32),
            pltpu.VMEM((G2, D), f32),
            pltpu.VMEM((G2, D), f32),
            pltpu.VMEM_SHARED((VP, D), f32),
            pltpu.SemaphoreType.DMA,
        ],
    )
    return k(ynorm, src4, dst4, zrv)


def _matmul_body(x_ref, w_ref, b_ref, o_ref):
    o_ref[...] = lax.dot_general(
        x_ref[...], w_ref[...], (((1,), (1,)), ((), ())),
        preferred_element_type=f32) + b_ref[...]


def _matmul(X, W, b):
    return pl.pallas_call(
        _matmul_body,
        grid=(10,),
        in_specs=[
            pl.BlockSpec((V // 10, D), lambda i: (i, 0)),
            pl.BlockSpec((D, D), lambda i: (0, 0)),
            pl.BlockSpec((1, D), lambda i: (0, 0)),
        ],
        out_specs=pl.BlockSpec((V // 10, D), lambda i: (i, 0)),
        out_shape=jax.ShapeDtypeStruct((V, D), f32),
    )(X, W, b.reshape(1, D))


def _combine_body(d0, d1, c0, c1, dv, dvn, cnt):
    dsum = d0[...] + d1[...]
    dv[...] = dsum
    dvn[...] = jnp.where(dsum > 0, lax.rsqrt(jnp.maximum(dsum, 1e-12)), 0.0)
    cnt[...] = c0[...] + c1[...]


def _combine(d0, d1, c0, c1):
    return pl.pallas_call(
        _combine_body,
        out_shape=(jax.ShapeDtypeStruct((VP // D, D), f32),
                   jax.ShapeDtypeStruct((VP // D, D), f32),
                   jax.ShapeDtypeStruct((EP // D, D), f32)),
    )(d0, d1, c0, c1)


def _norm_body(y0, y1, s0, s1, c, out):
    cc = c[...]
    y = (y0[...] + y1[...]) / jnp.maximum(cc, 1.0)
    de = (s0[...] + s1[...]) / (cc + 1.0)
    fac = jnp.where(cc > 0, lax.rsqrt(jnp.maximum(de, 1e-12)), 1.0)
    out[...] = y * fac


def _norm(y0, y1, s0, s1, cnt):
    nb = 8
    return pl.pallas_call(
        _norm_body,
        grid=(nb * YREP,),
        in_specs=[
            pl.BlockSpec((EP // nb, D), lambda i: (i % nb, 0)),
            pl.BlockSpec((EP // nb, D), lambda i: (i % nb, 0)),
            pl.BlockSpec((EP // nb, 1), lambda i: (i % nb, 0)),
            pl.BlockSpec((EP // nb, 1), lambda i: (i % nb, 0)),
            pl.BlockSpec((EP // nb, 1), lambda i: (i % nb, 0)),
        ],
        out_specs=pl.BlockSpec((EP // nb, D), lambda i: (i, 0)),
        out_shape=jax.ShapeDtypeStruct((YREP * EP, D), f32),
    )(y0, y1, s0, s1, cnt)


def _final_body(x0, x1, dvn, out):
    out[...] = jnp.maximum(dvn[...] * (x0[...] + x1[...]), 0.0)


def _final(x0, x1, dvn):
    nb = 10
    return pl.pallas_call(
        _final_body,
        grid=(nb,),
        in_specs=[
            pl.BlockSpec((V // nb, D), lambda i: (i, 0)),
            pl.BlockSpec((V // nb, D), lambda i: (i, 0)),
            pl.BlockSpec((V // nb, 1), lambda i: (i, 0)),
        ],
        out_specs=pl.BlockSpec((V // nb, D), lambda i: (i, 0)),
        out_shape=jax.ShapeDtypeStruct((V, D), f32),
    )(x0, x1, dvn)


def kernel(X, v2e_src, v2e_dst, W, b):
    npad = NNZP - NNZ
    iota_p = jnp.arange(npad, dtype=jnp.int32)
    srcpd = jnp.concatenate([v2e_src, (iota_p % (VP - V)) + V])
    dstp0 = jnp.concatenate([v2e_dst, (iota_p % (EP - E)) + E])

    xt = _matmul(X, W, b)

    zv = jnp.zeros((VP_T,), f32)
    ze = jnp.zeros((EP,), f32)
    dvp, cep = _hist(srcpd.reshape(NW, NB2, G2), dstp0.reshape(NW, NB2, G2),
                     zv, ze)
    dvp = dvp.reshape(NC, VP)
    cep = cep.reshape(NC, EP)

    dv, dvneg, cnt = _combine(
        dvp[0].reshape(VP // D, D), dvp[1].reshape(VP // D, D),
        cep[0].reshape(EP // D, D), cep[1].reshape(EP // D, D))
    dv1 = dv.reshape(VP)

    def _wtr2(a):
        return a.reshape(NW, NB2, G2).transpose(0, 2, 1).reshape(NW, NB2, G2)

    srcp2 = _wtr2(jnp.concatenate([v2e_src, iota_p % V]))
    dstp2 = _wtr2(jnp.concatenate([v2e_dst, (iota_p % (EP - E)) + E]))
    zr = jnp.zeros((EP_T, D), f32)
    zs = jnp.zeros((EP,), f32)
    yp, sp = _v2e(xt, srcp2, dstp2, dv1, zr, zs)
    sp = sp.reshape(NC, EP)

    ynorm = _norm(yp[0], yp[1],
                  sp[0].reshape(EP, 1), sp[1].reshape(EP, 1),
                  cnt.reshape(EP, 1))

    def _wtr(a):
        return a.reshape(NW, NB2, G2).transpose(0, 2, 1).reshape(-1)

    dstp = _wtr(dstp0) + (jnp.arange(NNZP, dtype=jnp.int32) % YREP) * EP
    zrv = jnp.zeros((VP_T, D), f32)
    xp = _e2v(ynorm, _wtr(srcpd).reshape(NW, NCH, CB, G2),
              dstp.reshape(NW, NCH, CB, G2), zrv)

    return _final(xp[0], xp[1], dvneg.reshape(VP, 1)[:V])

# --- scband reference (transcript-rebuilt; emitter-appended) ---
"""Pipeline reference for scband-uni-gcnconv-21131239096600 (READ-ONLY COPY).

The authoritative reference and input builder live on the scoring server;
editing this copy changes nothing except your own understanding.
"""

import jax, jax.numpy as jnp
import numpy as np

NUM_V = 10000
NUM_E = 5000
NNZ = 320000
D_IN = 128
D_OUT = 128


def setup_inputs(seed: int = 0) -> dict:
    key = jax.random.key(seed)
    k1, k2, k3, k4, k5 = jax.random.split(key, 5)
    X = jax.random.normal(k1, (NUM_V, D_IN), dtype=jnp.float32)
    v2e_src = jax.random.randint(k2, (NNZ,), 0, NUM_V, dtype=jnp.int32)
    v2e_dst = jnp.sort(jax.random.randint(k3, (NNZ,), 0, NUM_E, dtype=jnp.int32))
    # nn.Linear(in_channels, out_channels) parameters
    bound = 1.0 / np.sqrt(D_IN)
    W = jax.random.uniform(k4, (D_OUT, D_IN), dtype=jnp.float32, minval=-bound, maxval=bound)
    b = jax.random.uniform(k5, (D_OUT,), dtype=jnp.float32, minval=-bound, maxval=bound)
    return {"X": X, "v2e_src": v2e_src, "v2e_dst": v2e_dst, "W": W, "b": b}


def reference(X, v2e_src, v2e_dst, W, b):
    # theta: linear projection
    Xt = X @ W.T + b
    ones = jnp.ones((NNZ,), dtype=jnp.float32)
    # hyperedge incidence counts (|e|) and vertex degrees (d_v)
    counts_e = jax.ops.segment_sum(ones, v2e_dst, num_segments=NUM_E)
    D_v = jax.ops.segment_sum(ones, v2e_src, num_segments=NUM_V)
    # v2e mean aggregation: h_e = (1/|e|) * sum_{j in e} x_j
    Y = jax.ops.segment_sum(Xt[v2e_src], v2e_dst, num_segments=NUM_E)
    Y = jnp.where(counts_e[:, None] > 0, Y / jnp.maximum(counts_e, 1.0)[:, None], 0.0)
    # tilde{d}_e via scatter_reduce(mean, include_self=True): (0 + sum)/(1 + count)
    sums = jax.ops.segment_sum(D_v[v2e_src], v2e_dst, num_segments=NUM_E)
    _De = jnp.where(counts_e > 0, sums / (counts_e + 1.0), 0.0)
    # _De.pow(-0.5), inf -> 1
    _De = jnp.where(_De > 0, jnp.maximum(_De, 1e-12) ** -0.5, 1.0)
    Y = _De[:, None] * Y
    # e2v sum aggregation
    Xo = jax.ops.segment_sum(Y[v2e_dst], v2e_src, num_segments=NUM_V)
    # D_v^{-1/2} (inf -> 0, matching dhg's D_v_neg_1_2)
    Dv_neg = jnp.where(D_v > 0, jnp.maximum(D_v, 1e-12) ** -0.5, 0.0)
    Xo = Dv_neg[:, None] * Xo
    # not is_last: ReLU (use_bn=False, drop_rate=0.0 -> identity)
    Xo = jax.nn.relu(Xo)
    return Xo

if __name__ == "__main__":
    import jax
    _d = setup_inputs()
    print(jax.jit(kernel)(*tuple(_d.values())))

</pallas_src>

<mosaic_0001>
#map = affine_map<(d0, d1) -> (0, 0, 0)>
#map1 = affine_map<(d0, d1) -> (0)>
module attributes {stable_mosaic.version = 14 : i64} {
  func.func @_hist_body(%arg0: i32, %arg1: i32, %arg2: memref<32x80x128xi32, #tpu.memory_space<hbm>>, %arg3: memref<32x80x128xi32, #tpu.memory_space<hbm>>, %arg4: memref<640xf32, #tpu.memory_space<hbm>>, %arg5: memref<5120xf32, #tpu.memory_space<hbm>>, %arg6: memref<20480xf32, #tpu.memory_space<hbm>>, %arg7: memref<10240xf32, #tpu.memory_space<hbm>>, %arg8: memref<80x128xi32, #tpu.memory_space<vmem>>, %arg9: memref<80x128xi32, #tpu.memory_space<vmem>>, %arg10: memref<128xf32, #tpu.memory_space<vmem>>, %arg11: memref<10240xf32, #tpu.memory_space<vmem_shared>>, %arg12: memref<5120xf32, #tpu.memory_space<vmem_shared>>) attributes {dimension_semantics = [#tpu.dimension_semantics<core_parallel>, #tpu.dimension_semantics<subcore_parallel>], iteration_bounds = array<i64: 2, 16>, scalar_prefetch = 0 : i64, scratch_operands = 5 : i64, tpu.core_type = #tpu.core_type<sc_vector_subcore>, window_params = [{transform_indices = #map}, {transform_indices = #map}, {transform_indices = #map1}, {transform_indices = #map1}, {transform_indices = #map1}, {transform_indices = #map1}]} {
    %mul3A = arith.constant 16 : i32
    %mul3A_0 = arith.muli %arg0, %mul3A : i32
    %add3A = arith.addi %mul3A_0, %arg1 : i32
    %mul3A_1 = arith.constant 640 : i32
    %mul3A_2 = arith.muli %arg1, %mul3A_1 : i32
    "tpu.region"() ({
      %run_scoped3A = tpu.sem_alloc : memref<!tpu.dma_semaphore, #tpu.memory_space<semaphore_mem>>
      %dma_start3A = tpu.memref_slice %arg11[%mul3A_2] : memref<10240xf32, #tpu.memory_space<vmem_shared>> -> memref<640xf32, #tpu.memory_space<vmem_shared>>
      tpu.enqueue_dma source(%arg4 : memref<640xf32, #tpu.memory_space<hbm>>) target(%dma_start3A : memref<640xf32, #tpu.memory_space<vmem_shared>>) target_semaphore(%run_scoped3A : memref<!tpu.dma_semaphore, #tpu.memory_space<semaphore_mem>>)
      %dma_wait3A = tpu.memref_slice %arg11[%mul3A_2] : memref<10240xf32, #tpu.memory_space<vmem_shared>> -> memref<640xf32, #tpu.memory_space<vmem_shared>>
      tpu.wait_dma2 semaphore(%run_scoped3A : memref<!tpu.dma_semaphore, #tpu.memory_space<semaphore_mem>>) src(%arg4 : memref<640xf32, #tpu.memory_space<hbm>>) dst(%dma_wait3A : memref<640xf32, #tpu.memory_space<vmem_shared>>)
      tpu.yield
    }) : () -> ()
    %eq3A = arith.constant 0 : i32
    %eq3A_3 = arith.cmpi eq, %arg1, %eq3A : i32
    %convert_element_type3A = arith.extui %eq3A_3 : i1 to i32
    %cond3A = arith.constant 0 : i32
    %cond3A_4 = arith.cmpi ne, %convert_element_type3A, %cond3A : i32
    scf.if %cond3A_4 {
      "tpu.region"() ({
        %run_scoped3A = tpu.sem_alloc : memref<!tpu.dma_semaphore, #tpu.memory_space<semaphore_mem>>
        tpu.enqueue_dma source(%arg5 : memref<5120xf32, #tpu.memory_space<hbm>>) target(%arg12 : memref<5120xf32, #tpu.memory_space<vmem_shared>>) target_semaphore(%run_scoped3A : memref<!tpu.dma_semaphore, #tpu.memory_space<semaphore_mem>>)
        tpu.wait_dma2 semaphore(%run_scoped3A : memref<!tpu.dma_semaphore, #tpu.memory_space<semaphore_mem>>) src(%arg5 : memref<5120xf32, #tpu.memory_space<hbm>>) dst(%arg12 : memref<5120xf32, #tpu.memory_space<vmem_shared>>)
        tpu.yield
      }) : () -> ()
    } else {
    }
    "tpu.region"() ({
      %run_scoped3A = tpu.sem_alloc : memref<!tpu.dma_semaphore, #tpu.memory_space<semaphore_mem>>
      %dma_start3A = arith.constant 0 : i32
      %dma_start3A_68 = arith.constant 0 : i32
      %dma_start3A_69 = tpu.memref_slice %arg2[%add3A, %dma_start3A, %dma_start3A_68] : memref<32x80x128xi32, #tpu.memory_space<hbm>> -> memref<1x80x128xi32, #tpu.memory_space<hbm>>
      %dma_start3A_70 = tpu.memref_squeeze %dma_start3A_69 : memref<1x80x128xi32, #tpu.memory_space<hbm>> -> memref<80x128xi32, #tpu.memory_space<hbm>>
      %dma_start3A_71 = arith.constant 0 : i32
      %dma_start3A_72 = arith.constant 0 : i32
      %dma_start3A_73 = tpu.memref_slice %arg2[%add3A, %dma_start3A_71, %dma_start3A_72] : memref<32x80x128xi32, #tpu.memory_space<hbm>> -> memref<1x80x128xi32, #tpu.memory_space<hbm>>
      %dma_start3A_74 = tpu.memref_squeeze %dma_start3A_73 : memref<1x80x128xi32, #tpu.memory_space<hbm>> -> memref<80x128xi32, #tpu.memory_space<hbm>>
      tpu.enqueue_dma source(%dma_start3A_74 : memref<80x128xi32, #tpu.memory_space<hbm>>) target(%arg8 : memref<80x128xi32, #tpu.memory_space<vmem>>) target_semaphore(%run_scoped3A : memref<!tpu.dma_semaphore, #tpu.memory_space<semaphore_mem>>)
      %dma_wait3A = arith.constant 0 : i32
      %dma_wait3A_75 = arith.constant 0 : i32
      %dma_wait3A_76 = tpu.memref_slice %arg2[%add3A, %dma_wait3A, %dma_wait3A_75] : memref<32x80x128xi32, #tpu.memory_space<hbm>> -> memref<1x80x128xi32, #tpu.memory_space<hbm>>
      %dma_wait3A_77 = tpu.memref_squeeze %dma_wait3A_76 : memref<1x80x128xi32, #tpu.memory_space<hbm>> -> memref<80x128xi32, #tpu.memory_space<hbm>>
      %dma_wait3A_78 = arith.constant 0 : i32
      %dma_wait3A_79 = arith.constant 0 : i32
      %dma_wait3A_80 = tpu.memref_slice %arg2[%add3A, %dma_wait3A_78, %dma_wait3A_79] : memref<32x80x128xi32, #tpu.memory_space<hbm>> -> memref<1x80x128xi32, #tpu.memory_space<hbm>>
      %dma_wait3A_81 = tpu.memref_squeeze %dma_wait3A_80 : memref<1x80x128xi32, #tpu.memory_space<hbm>> -> memref<80x128xi32, #tpu.memory_space<hbm>>
      tpu.wait_dma2 semaphore(%run_scoped3A : memref<!tpu.dma_semaphore, #tpu.memory_space<semaphore_mem>>) src(%dma_wait3A_81 : memref<80x128xi32, #tpu.memory_space<hbm>>) dst(%arg8 : memref<80x128xi32, #tpu.memory_space<vmem>>)
      tpu.yield
    }) : () -> ()
    "tpu.region"() ({
      %run_scoped3A = tpu.sem_alloc : memref<!tpu.dma_semaphore, #tpu.memory_space<semaphore_mem>>
      %dma_start3A = arith.constant 0 : i32
      %dma_start3A_68 = arith.constant 0 : i32
      %dma_start3A_69 = tpu.memref_slice %arg3[%add3A, %dma_start3A, %dma_start3A_68] : memref<32x80x128xi32, #tpu.memory_space<hbm>> -> memref<1x80x128xi32, #tpu.memory_space<hbm>>
      %dma_start3A_70 = tpu.memref_squeeze %dma_start3A_69 : memref<1x80x128xi32, #tpu.memory_space<hbm>> -> memref<80x128xi32, #tpu.memory_space<hbm>>
      %dma_start3A_71 = arith.constant 0 : i32
      %dma_start3A_72 = arith.constant 0 : i32
      %dma_start3A_73 = tpu.memref_slice %arg3[%add3A, %dma_start3A_71, %dma_start3A_72] : memref<32x80x128xi32, #tpu.memory_space<hbm>> -> memref<1x80x128xi32, #tpu.memory_space<hbm>>
      %dma_start3A_74 = tpu.memref_squeeze %dma_start3A_73 : memref<1x80x128xi32, #tpu.memory_space<hbm>> -> memref<80x128xi32, #tpu.memory_space<hbm>>
      tpu.enqueue_dma source(%dma_start3A_74 : memref<80x128xi32, #tpu.memory_space<hbm>>) target(%arg9 : memref<80x128xi32, #tpu.memory_space<vmem>>) target_semaphore(%run_scoped3A : memref<!tpu.dma_semaphore, #tpu.memory_space<semaphore_mem>>)
      %dma_wait3A = arith.constant 0 : i32
      %dma_wait3A_75 = arith.constant 0 : i32
      %dma_wait3A_76 = tpu.memref_slice %arg3[%add3A, %dma_wait3A, %dma_wait3A_75] : memref<32x80x128xi32, #tpu.memory_space<hbm>> -> memref<1x80x128xi32, #tpu.memory_space<hbm>>
      %dma_wait3A_77 = tpu.memref_squeeze %dma_wait3A_76 : memref<1x80x128xi32, #tpu.memory_space<hbm>> -> memref<80x128xi32, #tpu.memory_space<hbm>>
      %dma_wait3A_78 = arith.constant 0 : i32
      %dma_wait3A_79 = arith.constant 0 : i32
      %dma_wait3A_80 = tpu.memref_slice %arg3[%add3A, %dma_wait3A_78, %dma_wait3A_79] : memref<32x80x128xi32, #tpu.memory_space<hbm>> -> memref<1x80x128xi32, #tpu.memory_space<hbm>>
      %dma_wait3A_81 = tpu.memref_squeeze %dma_wait3A_80 : memref<1x80x128xi32, #tpu.memory_space<hbm>> -> memref<80x128xi32, #tpu.memory_space<hbm>>
      tpu.wait_dma2 semaphore(%run_scoped3A : memref<!tpu.dma_semaphore, #tpu.memory_space<semaphore_mem>>) src(%dma_wait3A_81 : memref<80x128xi32, #tpu.memory_space<hbm>>) dst(%arg9 : memref<80x128xi32, #tpu.memory_space<vmem>>)
      tpu.yield
    }) : () -> ()
    %broadcast_in_dim3A = arith.constant 1.000000e+00 : f32
    %broadcast_in_dim3A_5 = vector.broadcast %broadcast_in_dim3A : f32 to vector<16xf32>
    %swap3A = arith.constant 0 : index
    %swap3A_6 = tpu.vector_load %arg10[%swap3A] {strides = array<i32>} : memref<128xf32, #tpu.memory_space<vmem>>, vector<16xf32>,
    %swap3A_7 = vector.shape_cast %swap3A_6 : vector<16xf32> to vector<16xf32>
    %swap3A_8 = vector.shape_cast %broadcast_in_dim3A_5 : vector<16xf32> to vector<16xf32>
    tpu.vector_store %arg10[%swap3A], %swap3A_8 {strides = array<i32>} : memref<128xf32, #tpu.memory_space<vmem>>, vector<16xf32>,
    %broadcast_in_dim3A_9 = arith.constant 1.000000e+00 : f32
    %broadcast_in_dim3A_10 = vector.broadcast %broadcast_in_dim3A_9 : f32 to vector<16xf32>
    %swap3A_11 = arith.constant 16 : index
    %swap3A_12 = tpu.vector_load %arg10[%swap3A_11] {strides = array<i32>} : memref<128xf32, #tpu.memory_space<vmem>>, vector<16xf32>,
    %swap3A_13 = vector.shape_cast %swap3A_12 : vector<16xf32> to vector<16xf32>
    %swap3A_14 = vector.shape_cast %broadcast_in_dim3A_10 : vector<16xf32> to vector<16xf32>
    tpu.vector_store %arg10[%swap3A_11], %swap3A_14 {strides = array<i32>} : memref<128xf32, #tpu.memory_space<vmem>>, vector<16xf32>,
    %broadcast_in_dim3A_15 = arith.constant 1.000000e+00 : f32
    %broadcast_in_dim3A_16 = vector.broadcast %broadcast_in_dim3A_15 : f32 to vector<16xf32>
    %swap3A_17 = arith.constant 32 : index
    %swap3A_18 = tpu.vector_load %arg10[%swap3A_17] {strides = array<i32>} : memref<128xf32, #tpu.memory_space<vmem>>, vector<16xf32>,
    %swap3A_19 = vector.shape_cast %swap3A_18 : vector<16xf32> to vector<16xf32>
    %swap3A_20 = vector.shape_cast %broadcast_in_dim3A_16 : vector<16xf32> to vector<16xf32>
    tpu.vector_store %arg10[%swap3A_17], %swap3A_20 {strides = array<i32>} : memref<128xf32, #tpu.memory_space<vmem>>, vector<16xf32>,
    %broadcast_in_dim3A_21 = arith.constant 1.000000e+00 : f32
    %broadcast_in_dim3A_22 = vector.broadcast %broadcast_in_dim3A_21 : f32 to vector<16xf32>
    %swap3A_23 = arith.constant 48 : index
    %swap3A_24 = tpu.vector_load %arg10[%swap3A_23] {strides = array<i32>} : memref<128xf32, #tpu.memory_space<vmem>>, vector<16xf32>,
    %swap3A_25 = vector.shape_cast %swap3A_24 : vector<16xf32> to vector<16xf32>
    %swap3A_26 = vector.shape_cast %broadcast_in_dim3A_22 : vector<16xf32> to vector<16xf32>
    tpu.vector_store %arg10[%swap3A_23], %swap3A_26 {strides = array<i32>} : memref<128xf32, #tpu.memory_space<vmem>>, vector<16xf32>,
    %broadcast_in_dim3A_27 = arith.constant 1.000000e+00 : f32
    %broadcast_in_dim3A_28 = vector.broadcast %broadcast_in_dim3A_27 : f32 to vector<16xf32>
    %swap3A_29 = arith.constant 64 : index
    %swap3A_30 = tpu.vector_load %arg10[%swap3A_29] {strides = array<i32>} : memref<128xf32, #tpu.memory_space<vmem>>, vector<16xf32>,
    %swap3A_31 = vector.shape_cast %swap3A_30 : vector<16xf32> to vector<16xf32>
    %swap3A_32 = vector.shape_cast %broadcast_in_dim3A_28 : vector<16xf32> to vector<16xf32>
    tpu.vector_store %arg10[%swap3A_29], %swap3A_32 {strides = array<i32>} : memref<128xf32, #tpu.memory_space<vmem>>, vector<16xf32>,
    %broadcast_in_dim3A_33 = arith.constant 1.000000e+00 : f32
    %broadcast_in_dim3A_34 = vector.broadcast %broadcast_in_dim3A_33 : f32 to vector<16xf32>
    %swap3A_35 = arith.constant 80 : index
    %swap3A_36 = tpu.vector_load %arg10[%swap3A_35] {strides = array<i32>} : memref<128xf32, #tpu.memory_space<vmem>>, vector<16xf32>,
    %swap3A_37 = vector.shape_cast %swap3A_36 : vector<16xf32> to vector<16xf32>
    %swap3A_38 = vector.shape_cast %broadcast_in_dim3A_34 : vector<16xf32> to vector<16xf32>
    tpu.vector_store %arg10[%swap3A_35], %swap3A_38 {strides = array<i32>} : memref<128xf32, #tpu.memory_space<vmem>>, vector<16xf32>,
    %broadcast_in_dim3A_39 = arith.constant 1.000000e+00 : f32
    %broadcast_in_dim3A_40 = vector.broadcast %broadcast_in_dim3A_39 : f32 to vector<16xf32>
    %swap3A_41 = arith.constant 96 : index
    %swap3A_42 = tpu.vector_load %arg10[%swap3A_41] {strides = array<i32>} : memref<128xf32, #tpu.memory_space<vmem>>, vector<16xf32>,
    %swap3A_43 = vector.shape_cast %swap3A_42 : vector<16xf32> to vector<16xf32>
    %swap3A_44 = vector.shape_cast %broadcast_in_dim3A_40 : vector<16xf32> to vector<16xf32>
    tpu.vector_store %arg10[%swap3A_41], %swap3A_44 {strides = array<i32>} : memref<128xf32, #tpu.memory_space<vmem>>, vector<16xf32>,
    %broadcast_in_dim3A_45 = arith.constant 1.000000e+00 : f32
    %broadcast_in_dim3A_46 = vector.broadcast %broadcast_in_dim3A_45 : f32 to vector<16xf32>
    %swap3A_47 = arith.constant 112 : index
    %swap3A_48 = tpu.vector_load %arg10[%swap3A_47] {strides = array<i32>} : memref<128xf32, #tpu.memory_space<vmem>>, vector<16xf32>,
    %swap3A_49 = vector.shape_cast %swap3A_48 : vector<16xf32> to vector<16xf32>
    %swap3A_50 = vector.shape_cast %broadcast_in_dim3A_46 : vector<16xf32> to vector<16xf32>
    tpu.vector_store %arg10[%swap3A_47], %swap3A_50 {strides = array<i32>} : memref<128xf32, #tpu.memory_space<vmem>>, vector<16xf32>,
    %barrier3A = arith.constant 0 : index
    tpu.barrier barrier_id(%barrier3A)
    %scan3A = arith.constant 0 : i32
    %scan3A_51 = arith.constant 80 : i32
    %scan3A_52 = arith.addi %scan3A, %scan3A_51 : i32
    %scan3A_53 = arith.constant 1 : i32
    scf.for %scan3A_68 = %scan3A to %scan3A_52 step %scan3A_53  : i32 {
      %mul3A_69 = arith.constant 1 : i32
      %mul3A_70 = arith.muli %scan3A_68, %mul3A_69 : i32
      %add3A_71 = arith.constant 0 : i32
      %add3A_72 = arith.addi %add3A_71, %mul3A_70 : i32
      "tpu.region"() ({
        %run_scoped3A = tpu.sem_alloc : memref<!tpu.dma_semaphore, #tpu.memory_space<semaphore_mem>>
        %dma_start3A = arith.constant 0 : i32
        %dma_start3A_73 = tpu.memref_slice %arg8[%add3A_72, %dma_start3A] : memref<80x128xi32, #tpu.memory_space<vmem>> -> memref<1x128xi32, #tpu.memory_space<vmem>>
        %dma_start3A_74 = tpu.memref_squeeze %dma_start3A_73 : memref<1x128xi32, #tpu.memory_space<vmem>> -> memref<128xi32, #tpu.memory_space<vmem>>
        %dma_start3A_75 = arith.constant 0 : i32
        %dma_start3A_76 = tpu.memref_slice %arg11[%dma_start3A_75] : memref<10240xf32, #tpu.memory_space<vmem_shared>> -> memref<10240xf32, #tpu.memory_space<vmem_shared>>
        tpu.enqueue_indirect_dma source(%arg10 : memref<128xf32, #tpu.memory_space<vmem>>) target(%dma_start3A_76 : memref<10240xf32, #tpu.memory_space<vmem_shared>>) offsets(%dma_start3A_74 : memref<128xi32, #tpu.memory_space<vmem>>) semaphore(%run_scoped3A : memref<!tpu.dma_semaphore, #tpu.memory_space<semaphore_mem>>) {add = true}
        %dma_wait3A = arith.constant 0 : i32
        %dma_wait3A_77 = tpu.memref_slice %arg8[%add3A_72, %dma_wait3A] : memref<80x128xi32, #tpu.memory_space<vmem>> -> memref<1x128xi32, #tpu.memory_space<vmem>>
        %dma_wait3A_78 = tpu.memref_squeeze %dma_wait3A_77 : memref<1x128xi32, #tpu.memory_space<vmem>> -> memref<128xi32, #tpu.memory_space<vmem>>
        %dma_wait3A_79 = arith.constant 0 : i32
        %dma_wait3A_80 = tpu.memref_slice %arg11[%dma_wait3A_79] : memref<10240xf32, #tpu.memory_space<vmem_shared>> -> memref<10240xf32, #tpu.memory_space<vmem_shared>>
        tpu.wait_indirect_dma semaphore(%run_scoped3A : memref<!tpu.dma_semaphore, #tpu.memory_space<semaphore_mem>>) src(%arg10 : memref<128xf32, #tpu.memory_space<vmem>>) dst(%dma_wait3A_80 : memref<10240xf32, #tpu.memory_space<vmem_shared>>)
        tpu.yield
      }) : () -> ()
      "tpu.region"() ({
        %run_scoped3A = tpu.sem_alloc : memref<!tpu.dma_semaphore, #tpu.memory_space<semaphore_mem>>
        %dma_start3A = arith.constant 0 : i32
        %dma_start3A_73 = tpu.memref_slice %arg9[%add3A_72, %dma_start3A] : memref<80x128xi32, #tpu.memory_space<vmem>> -> memref<1x128xi32, #tpu.memory_space<vmem>>
        %dma_start3A_74 = tpu.memref_squeeze %dma_start3A_73 : memref<1x128xi32, #tpu.memory_space<vmem>> -> memref<128xi32, #tpu.memory_space<vmem>>
        %dma_start3A_75 = arith.constant 0 : i32
        %dma_start3A_76 = tpu.memref_slice %arg12[%dma_start3A_75] : memref<5120xf32, #tpu.memory_space<vmem_shared>> -> memref<5120xf32, #tpu.memory_space<vmem_shared>>
        tpu.enqueue_indirect_dma source(%arg10 : memref<128xf32, #tpu.memory_space<vmem>>) target(%dma_start3A_76 : memref<5120xf32, #tpu.memory_space<vmem_shared>>) offsets(%dma_start3A_74 : memref<128xi32, #tpu.memory_space<vmem>>) semaphore(%run_scoped3A : memref<!tpu.dma_semaphore, #tpu.memory_space<semaphore_mem>>) {add = true}
        %dma_wait3A = arith.constant 0 : i32
        %dma_wait3A_77 = tpu.memref_slice %arg9[%add3A_72, %dma_wait3A] : memref<80x128xi32, #tpu.memory_space<vmem>> -> memref<1x128xi32, #tpu.memory_space<vmem>>
        %dma_wait3A_78 = tpu.memref_squeeze %dma_wait3A_77 : memref<1x128xi32, #tpu.memory_space<vmem>> -> memref<128xi32, #tpu.memory_space<vmem>>
        %dma_wait3A_79 = arith.constant 0 : i32
        %dma_wait3A_80 = tpu.memref_slice %arg12[%dma_wait3A_79] : memref<5120xf32, #tpu.memory_space<vmem_shared>> -> memref<5120xf32, #tpu.memory_space<vmem_shared>>
        tpu.wait_indirect_dma semaphore(%run_scoped3A : memref<!tpu.dma_semaphore, #tpu.memory_space<semaphore_mem>>) src(%arg10 : memref<128xf32, #tpu.memory_space<vmem>>) dst(%dma_wait3A_80 : memref<5120xf32, #tpu.memory_space<vmem_shared>>)
        tpu.yield
      }) : () -> ()
    }
    %scan3A_54 = arith.constant 80 : i32
    %barrier3A_55 = arith.constant 0 : index
    tpu.barrier barrier_id(%barrier3A_55)
    %mul3A_56 = arith.constant 640 : i32
    %mul3A_57 = arith.muli %arg1, %mul3A_56 : i32
    %mul3A_58 = arith.constant 10240 : i32
    %mul3A_59 = arith.muli %arg0, %mul3A_58 : i32
    %mul3A_60 = arith.constant 640 : i32
    %mul3A_61 = arith.muli %arg1, %mul3A_60 : i32
    %add3A_62 = arith.addi %mul3A_59, %mul3A_61 : i32
    "tpu.region"() ({
      %run_scoped3A = tpu.sem_alloc : memref<!tpu.dma_semaphore, #tpu.memory_space<semaphore_mem>>
      %dma_start3A = tpu.memref_slice %arg6[%add3A_62] : memref<20480xf32, #tpu.memory_space<hbm>> -> memref<640xf32, #tpu.memory_space<hbm>>
      %dma_start3A_68 = tpu.memref_slice %arg11[%mul3A_57] : memref<10240xf32, #tpu.memory_space<vmem_shared>> -> memref<640xf32, #tpu.memory_space<vmem_shared>>
      tpu.enqueue_dma source(%dma_start3A_68 : memref<640xf32, #tpu.memory_space<vmem_shared>>) target(%dma_start3A : memref<640xf32, #tpu.memory_space<hbm>>) target_semaphore(%run_scoped3A : memref<!tpu.dma_semaphore, #tpu.memory_space<semaphore_mem>>)
      %dma_wait3A = tpu.memref_slice %arg6[%add3A_62] : memref<20480xf32, #tpu.memory_space<hbm>> -> memref<640xf32, #tpu.memory_space<hbm>>
      %dma_wait3A_69 = tpu.memref_slice %arg11[%mul3A_57] : memref<10240xf32, #tpu.memory_space<vmem_shared>> -> memref<640xf32, #tpu.memory_space<vmem_shared>>
      tpu.wait_dma2 semaphore(%run_scoped3A : memref<!tpu.dma_semaphore, #tpu.memory_space<semaphore_mem>>) src(%dma_wait3A_69 : memref<640xf32, #tpu.memory_space<vmem_shared>>) dst(%dma_wait3A : memref<640xf32, #tpu.memory_space<hbm>>)
      tpu.yield
    }) : () -> ()
    %eq3A_63 = arith.constant 0 : i32
    %eq3A_64 = arith.cmpi eq, %arg1, %eq3A_63 : i32
    %convert_element_type3A_65 = arith.extui %eq3A_64 : i1 to i32
    %cond3A_66 = arith.constant 0 : i32
    %cond3A_67 = arith.cmpi ne, %convert_element_type3A_65, %cond3A_66 : i32
    scf.if %cond3A_67 {
      %mul3A_68 = arith.constant 5120 : i32
      %mul3A_69 = arith.muli %arg0, %mul3A_68 : i32
      "tpu.region"() ({
        %run_scoped3A = tpu.sem_alloc : memref<!tpu.dma_semaphore, #tpu.memory_space<semaphore_mem>>
        %dma_start3A = tpu.memref_slice %arg7[%mul3A_69] : memref<10240xf32, #tpu.memory_space<hbm>> -> memref<5120xf32, #tpu.memory_space<hbm>>
        tpu.enqueue_dma source(%arg12 : memref<5120xf32, #tpu.memory_space<vmem_shared>>) target(%dma_start3A : memref<5120xf32, #tpu.memory_space<hbm>>) target_semaphore(%run_scoped3A : memref<!tpu.dma_semaphore, #tpu.memory_space<semaphore_mem>>)
        %dma_wait3A = tpu.memref_slice %arg7[%mul3A_69] : memref<10240xf32, #tpu.memory_space<hbm>> -> memref<5120xf32, #tpu.memory_space<hbm>>
        tpu.wait_dma2 semaphore(%run_scoped3A : memref<!tpu.dma_semaphore, #tpu.memory_space<semaphore_mem>>) src(%arg12 : memref<5120xf32, #tpu.memory_space<vmem_shared>>) dst(%dma_wait3A : memref<5120xf32, #tpu.memory_space<hbm>>)
        tpu.yield
      }) : () -> ()
    } else {
    }
    return
  }
}

#map = affine_map<(d0, d1) -> (0, 0)>
#map1 = affine_map<(d0, d1) -> (0, 0, 0, 0)>
#map2 = affine_map<(d0, d1) -> (0, 0, 0)>
module attributes {stable_mosaic.version = 14 : i64} {
  func.func @_e2v_body(%arg0: i32, %arg1: i32, %arg2: memref<5120x128xf32, #tpu.memory_space<hbm>>, %arg3: memref<32x8x10x128xi32, #tpu.memory_space<hbm>>, %arg4: memref<32x8x10x128xi32, #tpu.memory_space<hbm>>, %arg5: memref<640x128xf32, #tpu.memory_space<hbm>>, %arg6: memref<2x10240x128xf32, #tpu.memory_space<hbm>>, %arg7: memref<10x128xi32, #tpu.memory_space<vmem>>, %arg8: memref<10x128xi32, #tpu.memory_space<vmem>>, %arg9: memref<128x128xf32, #tpu.memory_space<vmem>>, %arg10: memref<128x128xf32, #tpu.memory_space<vmem>>, %arg11: memref<10240x128xf32, #tpu.memory_space<vmem_shared>>, %arg12: memref<!tpu.dma_semaphore, #tpu.memory_space<semaphore_mem>>) attributes {dimension_semantics = [#tpu.dimension_semantics<core_parallel>, #tpu.dimension_semantics<subcore_parallel>], iteration_bounds = array<i64: 2, 16>, scalar_prefetch = 0 : i64, scratch_operands = 6 : i64, tpu.core_type = #tpu.core_type<sc_vector_subcore>, window_params = [{transform_indices = #map}, {transform_indices = #map1}, {transform_indices = #map1}, {transform_indices = #map}, {transform_indices = #map2}]} {
    %mul3A = arith.constant 16 : i32
    %mul3A_0 = arith.muli %arg0, %mul3A : i32
    %add3A = arith.addi %mul3A_0, %arg1 : i32
    %mul3A_1 = arith.constant 640 : i32
    %mul3A_2 = arith.muli %arg1, %mul3A_1 : i32
    "tpu.region"() ({
      %run_scoped3A = tpu.sem_alloc : memref<!tpu.dma_semaphore, #tpu.memory_space<semaphore_mem>>
      %dma_start3A = arith.constant 0 : i32
      %dma_start3A_12 = tpu.memref_slice %arg11[%mul3A_2, %dma_start3A] : memref<10240x128xf32, #tpu.memory_space<vmem_shared>> -> memref<640x128xf32, #tpu.memory_space<vmem_shared>>
      tpu.enqueue_dma source(%arg5 : memref<640x128xf32, #tpu.memory_space<hbm>>) target(%dma_start3A_12 : memref<640x128xf32, #tpu.memory_space<vmem_shared>>) target_semaphore(%run_scoped3A : memref<!tpu.dma_semaphore, #tpu.memory_space<semaphore_mem>>)
      %dma_wait3A = arith.constant 0 : i32
      %dma_wait3A_13 = tpu.memref_slice %arg11[%mul3A_2, %dma_wait3A] : memref<10240x128xf32, #tpu.memory_space<vmem_shared>> -> memref<640x128xf32, #tpu.memory_space<vmem_shared>>
      tpu.wait_dma2 semaphore(%run_scoped3A : memref<!tpu.dma_semaphore, #tpu.memory_space<semaphore_mem>>) src(%arg5 : memref<640x128xf32, #tpu.memory_space<hbm>>) dst(%dma_wait3A_13 : memref<640x128xf32, #tpu.memory_space<vmem_shared>>)
      tpu.yield
    }) : () -> ()
    %barrier3A = arith.constant 0 : index
    tpu.barrier barrier_id(%barrier3A)
    %scan3A = arith.constant 0 : i32
    %scan3A_3 = arith.constant 8 : i32
    %scan3A_4 = arith.addi %scan3A, %scan3A_3 : i32
    %scan3A_5 = arith.constant 1 : i32
    scf.for %scan3A_12 = %scan3A to %scan3A_4 step %scan3A_5  : i32 {
      %mul3A_13 = arith.constant 1 : i32
      %mul3A_14 = arith.muli %scan3A_12, %mul3A_13 : i32
      %add3A_15 = arith.constant 0 : i32
      %add3A_16 = arith.addi %add3A_15, %mul3A_14 : i32
      "tpu.region"() ({
        %run_scoped3A_49 = tpu.sem_alloc : memref<!tpu.dma_semaphore, #tpu.memory_space<semaphore_mem>>
        %dma_start3A_50 = arith.constant 0 : i32
        %dma_start3A_51 = arith.constant 0 : i32
        %dma_start3A_52 = tpu.memref_slice %arg3[%add3A, %add3A_16, %dma_start3A_50, %dma_start3A_51] : memref<32x8x10x128xi32, #tpu.memory_space<hbm>> -> memref<1x1x10x128xi32, #tpu.memory_space<hbm>>
        %dma_start3A_53 = tpu.memref_squeeze %dma_start3A_52 : memref<1x1x10x128xi32, #tpu.memory_space<hbm>> -> memref<10x128xi32, #tpu.memory_space<hbm>>
        %dma_start3A_54 = arith.constant 0 : i32
        %dma_start3A_55 = arith.constant 0 : i32
        %dma_start3A_56 = tpu.memref_slice %arg3[%add3A, %add3A_16, %dma_start3A_54, %dma_start3A_55] : memref<32x8x10x128xi32, #tpu.memory_space<hbm>> -> memref<1x1x10x128xi32, #tpu.memory_space<hbm>>
        %dma_start3A_57 = tpu.memref_squeeze %dma_start3A_56 : memref<1x1x10x128xi32, #tpu.memory_space<hbm>> -> memref<10x128xi32, #tpu.memory_space<hbm>>
        tpu.enqueue_dma source(%dma_start3A_57 : memref<10x128xi32, #tpu.memory_space<hbm>>) target(%arg7 : memref<10x128xi32, #tpu.memory_space<vmem>>) target_semaphore(%run_scoped3A_49 : memref<!tpu.dma_semaphore, #tpu.memory_space<semaphore_mem>>)
        %dma_wait3A_58 = arith.constant 0 : i32
        %dma_wait3A_59 = arith.constant 0 : i32
        %dma_wait3A_60 = tpu.memref_slice %arg3[%add3A, %add3A_16, %dma_wait3A_58, %dma_wait3A_59] : memref<32x8x10x128xi32, #tpu.memory_space<hbm>> -> memref<1x1x10x128xi32, #tpu.memory_space<hbm>>
        %dma_wait3A_61 = tpu.memref_squeeze %dma_wait3A_60 : memref<1x1x10x128xi32, #tpu.memory_space<hbm>> -> memref<10x128xi32, #tpu.memory_space<hbm>>
        %dma_wait3A_62 = arith.constant 0 : i32
        %dma_wait3A_63 = arith.constant 0 : i32
        %dma_wait3A_64 = tpu.memref_slice %arg3[%add3A, %add3A_16, %dma_wait3A_62, %dma_wait3A_63] : memref<32x8x10x128xi32, #tpu.memory_space<hbm>> -> memref<1x1x10x128xi32, #tpu.memory_space<hbm>>
        %dma_wait3A_65 = tpu.memref_squeeze %dma_wait3A_64 : memref<1x1x10x128xi32, #tpu.memory_space<hbm>> -> memref<10x128xi32, #tpu.memory_space<hbm>>
        tpu.wait_dma2 semaphore(%run_scoped3A_49 : memref<!tpu.dma_semaphore, #tpu.memory_space<semaphore_mem>>) src(%dma_wait3A_65 : memref<10x128xi32, #tpu.memory_space<hbm>>) dst(%arg7 : memref<10x128xi32, #tpu.memory_space<vmem>>)
        tpu.yield
      }) : () -> ()
      "tpu.region"() ({
        %run_scoped3A_49 = tpu.sem_alloc : memref<!tpu.dma_semaphore, #tpu.memory_space<semaphore_mem>>
        %dma_start3A_50 = arith.constant 0 : i32
        %dma_start3A_51 = arith.constant 0 : i32
        %dma_start3A_52 = tpu.memref_slice %arg4[%add3A, %add3A_16, %dma_start3A_50, %dma_start3A_51] : memref<32x8x10x128xi32, #tpu.memory_space<hbm>> -> memref<1x1x10x128xi32, #tpu.memory_space<hbm>>
        %dma_start3A_53 = tpu.memref_squeeze %dma_start3A_52 : memref<1x1x10x128xi32, #tpu.memory_space<hbm>> -> memref<10x128xi32, #tpu.memory_space<hbm>>
        %dma_start3A_54 = arith.constant 0 : i32
        %dma_start3A_55 = arith.constant 0 : i32
        %dma_start3A_56 = tpu.memref_slice %arg4[%add3A, %add3A_16, %dma_start3A_54, %dma_start3A_55] : memref<32x8x10x128xi32, #tpu.memory_space<hbm>> -> memref<1x1x10x128xi32, #tpu.memory_space<hbm>>
        %dma_start3A_57 = tpu.memref_squeeze %dma_start3A_56 : memref<1x1x10x128xi32, #tpu.memory_space<hbm>> -> memref<10x128xi32, #tpu.memory_space<hbm>>
        tpu.enqueue_dma source(%dma_start3A_57 : memref<10x128xi32, #tpu.memory_space<hbm>>) target(%arg8 : memref<10x128xi32, #tpu.memory_space<vmem>>) target_semaphore(%run_scoped3A_49 : memref<!tpu.dma_semaphore, #tpu.memory_space<semaphore_mem>>)
        %dma_wait3A_58 = arith.constant 0 : i32
        %dma_wait3A_59 = arith.constant 0 : i32
        %dma_wait3A_60 = tpu.memref_slice %arg4[%add3A, %add3A_16, %dma_wait3A_58, %dma_wait3A_59] : memref<32x8x10x128xi32, #tpu.memory_space<hbm>> -> memref<1x1x10x128xi32, #tpu.memory_space<hbm>>
        %dma_wait3A_61 = tpu.memref_squeeze %dma_wait3A_60 : memref<1x1x10x128xi32, #tpu.memory_space<hbm>> -> memref<10x128xi32, #tpu.memory_space<hbm>>
        %dma_wait3A_62 = arith.constant 0 : i32
        %dma_wait3A_63 = arith.constant 0 : i32
        %dma_wait3A_64 = tpu.memref_slice %arg4[%add3A, %add3A_16, %dma_wait3A_62, %dma_wait3A_63] : memref<32x8x10x128xi32, #tpu.memory_space<hbm>> -> memref<1x1x10x128xi32, #tpu.memory_space<hbm>>
        %dma_wait3A_65 = tpu.memref_squeeze %dma_wait3A_64 : memref<1x1x10x128xi32, #tpu.memory_space<hbm>> -> memref<10x128xi32, #tpu.memory_space<hbm>>
        tpu.wait_dma2 semaphore(%run_scoped3A_49 : memref<!tpu.dma_semaphore, #tpu.memory_space<semaphore_mem>>) src(%dma_wait3A_65 : memref<10x128xi32, #tpu.memory_space<hbm>>) dst(%arg8 : memref<10x128xi32, #tpu.memory_space<vmem>>)
        tpu.yield
      }) : () -> ()
      %dma_start3A = arith.constant 0 : i32
      %dma_start3A_17 = arith.constant 0 : i32
      %dma_start3A_18 = tpu.memref_slice %arg8[%dma_start3A, %dma_start3A_17] : memref<10x128xi32, #tpu.memory_space<vmem>> -> memref<1x128xi32, #tpu.memory_space<vmem>>
      %dma_start3A_19 = tpu.memref_squeeze %dma_start3A_18 : memref<1x128xi32, #tpu.memory_space<vmem>> -> memref<128xi32, #tpu.memory_space<vmem>>
      %dma_start3A_20 = arith.constant 0 : i32
      %dma_start3A_21 = arith.constant 0 : i32
      %dma_start3A_22 = tpu.memref_slice %arg2[%dma_start3A_20, %dma_start3A_21] : memref<5120x128xf32, #tpu.memory_space<hbm>> -> memref<5120x128xf32, #tpu.memory_space<hbm>>
      tpu.enqueue_indirect_dma source(%dma_start3A_22 : memref<5120x128xf32, #tpu.memory_space<hbm>>) target(%arg9 : memref<128x128xf32, #tpu.memory_space<vmem>>) offsets(%dma_start3A_19 : memref<128xi32, #tpu.memory_space<vmem>>) semaphore(%arg12 : memref<!tpu.dma_semaphore, #tpu.memory_space<semaphore_mem>>)
      %scan3A_23 = arith.constant 0 : i32
      %scan3A_24 = arith.constant 4 : i32
      %scan3A_25 = arith.addi %scan3A_23, %scan3A_24 : i32
      %scan3A_26 = arith.constant 1 : i32
      scf.for %scan3A_49 = %scan3A_23 to %scan3A_25 step %scan3A_26  : i32 {
        %mul3A_50 = arith.constant 1 : i32
        %mul3A_51 = arith.muli %scan3A_49, %mul3A_50 : i32
        %add3A_52 = arith.constant 0 : i32
        %add3A_53 = arith.addi %add3A_52, %mul3A_51 : i32
        %mul3A_54 = arith.constant 2 : i32
        %mul3A_55 = arith.muli %mul3A_54, %add3A_53 : i32
        %dma_wait3A_56 = arith.constant 0 : i32
        %dma_wait3A_57 = tpu.memref_slice %arg8[%mul3A_55, %dma_wait3A_56] : memref<10x128xi32, #tpu.memory_space<vmem>> -> memref<1x128xi32, #tpu.memory_space<vmem>>
        %dma_wait3A_58 = tpu.memref_squeeze %dma_wait3A_57 : memref<1x128xi32, #tpu.memory_space<vmem>> -> memref<128xi32, #tpu.memory_space<vmem>>
        %dma_wait3A_59 = arith.constant 0 : i32
        %dma_wait3A_60 = arith.constant 0 : i32
        %dma_wait3A_61 = tpu.memref_slice %arg2[%dma_wait3A_59, %dma_wait3A_60] : memref<5120x128xf32, #tpu.memory_space<hbm>> -> memref<5120x128xf32, #tpu.memory_space<hbm>>
        tpu.wait_indirect_dma semaphore(%arg12 : memref<!tpu.dma_semaphore, #tpu.memory_space<semaphore_mem>>) src(%dma_wait3A_61 : memref<5120x128xf32, #tpu.memory_space<hbm>>) dst(%arg9 : memref<128x128xf32, #tpu.memory_space<vmem>>)
        %add3A_62 = arith.constant 1 : i32
        %add3A_63 = arith.addi %mul3A_55, %add3A_62 : i32
        %dma_start3A_64 = arith.constant 0 : i32
        %dma_start3A_65 = tpu.memref_slice %arg8[%add3A_63, %dma_start3A_64] : memref<10x128xi32, #tpu.memory_space<vmem>> -> memref<1x128xi32, #tpu.memory_space<vmem>>
        %dma_start3A_66 = tpu.memref_squeeze %dma_start3A_65 : memref<1x128xi32, #tpu.memory_space<vmem>> -> memref<128xi32, #tpu.memory_space<vmem>>
        %dma_start3A_67 = arith.constant 0 : i32
        %dma_start3A_68 = arith.constant 0 : i32
        %dma_start3A_69 = tpu.memref_slice %arg2[%dma_start3A_67, %dma_start3A_68] : memref<5120x128xf32, #tpu.memory_space<hbm>> -> memref<5120x128xf32, #tpu.memory_space<hbm>>
        tpu.enqueue_indirect_dma source(%dma_start3A_69 : memref<5120x128xf32, #tpu.memory_space<hbm>>) target(%arg10 : memref<128x128xf32, #tpu.memory_space<vmem>>) offsets(%dma_start3A_66 : memref<128xi32, #tpu.memory_space<vmem>>) semaphore(%arg12 : memref<!tpu.dma_semaphore, #tpu.memory_space<semaphore_mem>>)
        "tpu.region"() ({
          %run_scoped3A_88 = tpu.sem_alloc : memref<!tpu.dma_semaphore, #tpu.memory_space<semaphore_mem>>
          %dma_start3A_89 = arith.constant 0 : i32
          %dma_start3A_90 = tpu.memref_slice %arg7[%mul3A_55, %dma_start3A_89] : memref<10x128xi32, #tpu.memory_space<vmem>> -> memref<1x128xi32, #tpu.memory_space<vmem>>
          %dma_start3A_91 = tpu.memref_squeeze %dma_start3A_90 : memref<1x128xi32, #tpu.memory_space<vmem>> -> memref<128xi32, #tpu.memory_space<vmem>>
          %dma_start3A_92 = arith.constant 0 : i32
          %dma_start3A_93 = arith.constant 0 : i32
          %dma_start3A_94 = tpu.memref_slice %arg11[%dma_start3A_92, %dma_start3A_93] : memref<10240x128xf32, #tpu.memory_space<vmem_shared>> -> memref<10240x128xf32, #tpu.memory_space<vmem_shared>>
          tpu.enqueue_indirect_dma source(%arg9 : memref<128x128xf32, #tpu.memory_space<vmem>>) target(%dma_start3A_94 : memref<10240x128xf32, #tpu.memory_space<vmem_shared>>) offsets(%dma_start3A_91 : memref<128xi32, #tpu.memory_space<vmem>>) semaphore(%run_scoped3A_88 : memref<!tpu.dma_semaphore, #tpu.memory_space<semaphore_mem>>) {add = true}
          %dma_wait3A_95 = arith.constant 0 : i32
          %dma_wait3A_96 = tpu.memref_slice %arg7[%mul3A_55, %dma_wait3A_95] : memref<10x128xi32, #tpu.memory_space<vmem>> -> memref<1x128xi32, #tpu.memory_space<vmem>>
          %dma_wait3A_97 = tpu.memref_squeeze %dma_wait3A_96 : memref<1x128xi32, #tpu.memory_space<vmem>> -> memref<128xi32, #tpu.memory_space<vmem>>
          %dma_wait3A_98 = arith.constant 0 : i32
          %dma_wait3A_99 = arith.constant 0 : i32
          %dma_wait3A_100 = tpu.memref_slice %arg11[%dma_wait3A_98, %dma_wait3A_99] : memref<10240x128xf32, #tpu.memory_space<vmem_shared>> -> memref<10240x128xf32, #tpu.memory_space<vmem_shared>>
          tpu.wait_indirect_dma semaphore(%run_scoped3A_88 : memref<!tpu.dma_semaphore, #tpu.memory_space<semaphore_mem>>) src(%arg9 : memref<128x128xf32, #tpu.memory_space<vmem>>) dst(%dma_wait3A_100 : memref<10240x128xf32, #tpu.memory_space<vmem_shared>>)
          tpu.yield
        }) : () -> ()
        %mul3A_70 = arith.constant 2 : i32
        %mul3A_71 = arith.muli %mul3A_70, %add3A_53 : i32
        %add3A_72 = arith.constant 1 : i32
        %add3A_73 = arith.addi %mul3A_71, %add3A_72 : i32
        %dma_wait3A_74 = arith.constant 0 : i32
        %dma_wait3A_75 = tpu.memref_slice %arg8[%add3A_73, %dma_wait3A_74] : memref<10x128xi32, #tpu.memory_space<vmem>> -> memref<1x128xi32, #tpu.memory_space<vmem>>
        %dma_wait3A_76 = tpu.memref_squeeze %dma_wait3A_75 : memref<1x128xi32, #tpu.memory_space<vmem>> -> memref<128xi32, #tpu.memory_space<vmem>>
        %dma_wait3A_77 = arith.constant 0 : i32
        %dma_wait3A_78 = arith.constant 0 : i32
        %dma_wait3A_79 = tpu.memref_slice %arg2[%dma_wait3A_77, %dma_wait3A_78] : memref<5120x128xf32, #tpu.memory_space<hbm>> -> memref<5120x128xf32, #tpu.memory_space<hbm>>
        tpu.wait_indirect_dma semaphore(%arg12 : memref<!tpu.dma_semaphore, #tpu.memory_space<semaphore_mem>>) src(%dma_wait3A_79 : memref<5120x128xf32, #tpu.memory_space<hbm>>) dst(%arg10 : memref<128x128xf32, #tpu.memory_space<vmem>>)
        %add3A_80 = arith.constant 1 : i32
        %add3A_81 = arith.addi %add3A_73, %add3A_80 : i32
        %dma_start3A_82 = arith.constant 0 : i32
        %dma_start3A_83 = tpu.memref_slice %arg8[%add3A_81, %dma_start3A_82] : memref<10x128xi32, #tpu.memory_space<vmem>> -> memref<1x128xi32, #tpu.memory_space<vmem>>
        %dma_start3A_84 = tpu.memref_squeeze %dma_start3A_83 : memref<1x128xi32, #tpu.memory_space<vmem>> -> memref<128xi32, #tpu.memory_space<vmem>>
        %dma_start3A_85 = arith.constant 0 : i32
        %dma_start3A_86 = arith.constant 0 : i32
        %dma_start3A_87 = tpu.memref_slice %arg2[%dma_start3A_85, %dma_start3A_86] : memref<5120x128xf32, #tpu.memory_space<hbm>> -> memref<5120x128xf32, #tpu.memory_space<hbm>>
        tpu.enqueue_indirect_dma source(%dma_start3A_87 : memref<5120x128xf32, #tpu.memory_space<hbm>>) target(%arg9 : memref<128x128xf32, #tpu.memory_space<vmem>>) offsets(%dma_start3A_84 : memref<128xi32, #tpu.memory_space<vmem>>) semaphore(%arg12 : memref<!tpu.dma_semaphore, #tpu.memory_space<semaphore_mem>>)
        "tpu.region"() ({
          %run_scoped3A_88 = tpu.sem_alloc : memref<!tpu.dma_semaphore, #tpu.memory_space<semaphore_mem>>
          %dma_start3A_89 = arith.constant 0 : i32
          %dma_start3A_90 = tpu.memref_slice %arg7[%add3A_73, %dma_start3A_89] : memref<10x128xi32, #tpu.memory_space<vmem>> -> memref<1x128xi32, #tpu.memory_space<vmem>>
          %dma_start3A_91 = tpu.memref_squeeze %dma_start3A_90 : memref<1x128xi32, #tpu.memory_space<vmem>> -> memref<128xi32, #tpu.memory_space<vmem>>
          %dma_start3A_92 = arith.constant 0 : i32
          %dma_start3A_93 = arith.constant 0 : i32
          %dma_start3A_94 = tpu.memref_slice %arg11[%dma_start3A_92, %dma_start3A_93] : memref<10240x128xf32, #tpu.memory_space<vmem_shared>> -> memref<10240x128xf32, #tpu.memory_space<vmem_shared>>
          tpu.enqueue_indirect_dma source(%arg10 : memref<128x128xf32, #tpu.memory_space<vmem>>) target(%dma_start3A_94 : memref<10240x128xf32, #tpu.memory_space<vmem_shared>>) offsets(%dma_start3A_91 : memref<128xi32, #tpu.memory_space<vmem>>) semaphore(%run_scoped3A_88 : memref<!tpu.dma_semaphore, #tpu.memory_space<semaphore_mem>>) {add = true}
          %dma_wait3A_95 = arith.constant 0 : i32
          %dma_wait3A_96 = tpu.memref_slice %arg7[%add3A_73, %dma_wait3A_95] : memref<10x128xi32, #tpu.memory_space<vmem>> -> memref<1x128xi32, #tpu.memory_space<vmem>>
          %dma_wait3A_97 = tpu.memref_squeeze %dma_wait3A_96 : memref<1x128xi32, #tpu.memory_space<vmem>> -> memref<128xi32, #tpu.memory_space<vmem>>
          %dma_wait3A_98 = arith.constant 0 : i32
          %dma_wait3A_99 = arith.constant 0 : i32
          %dma_wait3A_100 = tpu.memref_slice %arg11[%dma_wait3A_98, %dma_wait3A_99] : memref<10240x128xf32, #tpu.memory_space<vmem_shared>> -> memref<10240x128xf32, #tpu.memory_space<vmem_shared>>
          tpu.wait_indirect_dma semaphore(%run_scoped3A_88 : memref<!tpu.dma_semaphore, #tpu.memory_space<semaphore_mem>>) src(%arg10 : memref<128x128xf32, #tpu.memory_space<vmem>>) dst(%dma_wait3A_100 : memref<10240x128xf32, #tpu.memory_space<vmem_shared>>)
          tpu.yield
        }) : () -> ()
      }
      %scan3A_27 = arith.constant 4 : i32
      %dma_wait3A = arith.constant 8 : i32
      %dma_wait3A_28 = arith.constant 0 : i32
      %dma_wait3A_29 = tpu.memref_slice %arg8[%dma_wait3A, %dma_wait3A_28] : memref<10x128xi32, #tpu.memory_space<vmem>> -> memref<1x128xi32, #tpu.memory_space<vmem>>
      %dma_wait3A_30 = tpu.memref_squeeze %dma_wait3A_29 : memref<1x128xi32, #tpu.memory_space<vmem>> -> memref<128xi32, #tpu.memory_space<vmem>>
      %dma_wait3A_31 = arith.constant 0 : i32
      %dma_wait3A_32 = arith.constant 0 : i32
      %dma_wait3A_33 = tpu.memref_slice %arg2[%dma_wait3A_31, %dma_wait3A_32] : memref<5120x128xf32, #tpu.memory_space<hbm>> -> memref<5120x128xf32, #tpu.memory_space<hbm>>
      tpu.wait_indirect_dma semaphore(%arg12 : memref<!tpu.dma_semaphore, #tpu.memory_space<semaphore_mem>>) src(%dma_wait3A_33 : memref<5120x128xf32, #tpu.memory_space<hbm>>) dst(%arg9 : memref<128x128xf32, #tpu.memory_space<vmem>>)
      %dma_start3A_34 = arith.constant 9 : i32
      %dma_start3A_35 = arith.constant 0 : i32
      %dma_start3A_36 = tpu.memref_slice %arg8[%dma_start3A_34, %dma_start3A_35] : memref<10x128xi32, #tpu.memory_space<vmem>> -> memref<1x128xi32, #tpu.memory_space<vmem>>
      %dma_start3A_37 = tpu.memref_squeeze %dma_start3A_36 : memref<1x128xi32, #tpu.memory_space<vmem>> -> memref<128xi32, #tpu.memory_space<vmem>>
      %dma_start3A_38 = arith.constant 0 : i32
      %dma_start3A_39 = arith.constant 0 : i32
      %dma_start3A_40 = tpu.memref_slice %arg2[%dma_start3A_38, %dma_start3A_39] : memref<5120x128xf32, #tpu.memory_space<hbm>> -> memref<5120x128xf32, #tpu.memory_space<hbm>>
      tpu.enqueue_indirect_dma source(%dma_start3A_40 : memref<5120x128xf32, #tpu.memory_space<hbm>>) target(%arg10 : memref<128x128xf32, #tpu.memory_space<vmem>>) offsets(%dma_start3A_37 : memref<128xi32, #tpu.memory_space<vmem>>) semaphore(%arg12 : memref<!tpu.dma_semaphore, #tpu.memory_space<semaphore_mem>>)
      %run_scoped3A = arith.constant 8 : i32
      "tpu.region"() ({
        %run_scoped3A_49 = tpu.sem_alloc : memref<!tpu.dma_semaphore, #tpu.memory_space<semaphore_mem>>
        %dma_start3A_50 = arith.constant 0 : i32
        %dma_start3A_51 = tpu.memref_slice %arg7[%run_scoped3A, %dma_start3A_50] : memref<10x128xi32, #tpu.memory_space<vmem>> -> memref<1x128xi32, #tpu.memory_space<vmem>>
        %dma_start3A_52 = tpu.memref_squeeze %dma_start3A_51 : memref<1x128xi32, #tpu.memory_space<vmem>> -> memref<128xi32, #tpu.memory_space<vmem>>
        %dma_start3A_53 = arith.constant 0 : i32
        %dma_start3A_54 = arith.constant 0 : i32
        %dma_start3A_55 = tpu.memref_slice %arg11[%dma_start3A_53, %dma_start3A_54] : memref<10240x128xf32, #tpu.memory_space<vmem_shared>> -> memref<10240x128xf32, #tpu.memory_space<vmem_shared>>
        tpu.enqueue_indirect_dma source(%arg9 : memref<128x128xf32, #tpu.memory_space<vmem>>) target(%dma_start3A_55 : memref<10240x128xf32, #tpu.memory_space<vmem_shared>>) offsets(%dma_start3A_52 : memref<128xi32, #tpu.memory_space<vmem>>) semaphore(%run_scoped3A_49 : memref<!tpu.dma_semaphore, #tpu.memory_space<semaphore_mem>>) {add = true}
        %dma_wait3A_56 = arith.constant 0 : i32
        %dma_wait3A_57 = tpu.memref_slice %arg7[%run_scoped3A, %dma_wait3A_56] : memref<10x128xi32, #tpu.memory_space<vmem>> -> memref<1x128xi32, #tpu.memory_space<vmem>>
        %dma_wait3A_58 = tpu.memref_squeeze %dma_wait3A_57 : memref<1x128xi32, #tpu.memory_space<vmem>> -> memref<128xi32, #tpu.memory_space<vmem>>
        %dma_wait3A_59 = arith.constant 0 : i32
        %dma_wait3A_60 = arith.constant 0 : i32
        %dma_wait3A_61 = tpu.memref_slice %arg11[%dma_wait3A_59, %dma_wait3A_60] : memref<10240x128xf32, #tpu.memory_space<vmem_shared>> -> memref<10240x128xf32, #tpu.memory_space<vmem_shared>>
        tpu.wait_indirect_dma semaphore(%run_scoped3A_49 : memref<!tpu.dma_semaphore, #tpu.memory_space<semaphore_mem>>) src(%arg9 : memref<128x128xf32, #tpu.memory_space<vmem>>) dst(%dma_wait3A_61 : memref<10240x128xf32, #tpu.memory_space<vmem_shared>>)
        tpu.yield
      }) : () -> ()
      %dma_wait3A_41 = arith.constant 9 : i32
      %dma_wait3A_42 = arith.constant 0 : i32
      %dma_wait3A_43 = tpu.memref_slice %arg8[%dma_wait3A_41, %dma_wait3A_42] : memref<10x128xi32, #tpu.memory_space<vmem>> -> memref<1x128xi32, #tpu.memory_space<vmem>>
      %dma_wait3A_44 = tpu.memref_squeeze %dma_wait3A_43 : memref<1x128xi32, #tpu.memory_space<vmem>> -> memref<128xi32, #tpu.memory_space<vmem>>
      %dma_wait3A_45 = arith.constant 0 : i32
      %dma_wait3A_46 = arith.constant 0 : i32
      %dma_wait3A_47 = tpu.memref_slice %arg2[%dma_wait3A_45, %dma_wait3A_46] : memref<5120x128xf32, #tpu.memory_space<hbm>> -> memref<5120x128xf32, #tpu.memory_space<hbm>>
      tpu.wait_indirect_dma semaphore(%arg12 : memref<!tpu.dma_semaphore, #tpu.memory_space<semaphore_mem>>) src(%dma_wait3A_47 : memref<5120x128xf32, #tpu.memory_space<hbm>>) dst(%arg10 : memref<128x128xf32, #tpu.memory_space<vmem>>)
      %run_scoped3A_48 = arith.constant 9 : i32
      "tpu.region"() ({
        %run_scoped3A_49 = tpu.sem_alloc : memref<!tpu.dma_semaphore, #tpu.memory_space<semaphore_mem>>
        %dma_start3A_50 = arith.constant 0 : i32
        %dma_start3A_51 = tpu.memref_slice %arg7[%run_scoped3A_48, %dma_start3A_50] : memref<10x128xi32, #tpu.memory_space<vmem>> -> memref<1x128xi32, #tpu.memory_space<vmem>>
        %dma_start3A_52 = tpu.memref_squeeze %dma_start3A_51 : memref<1x128xi32, #tpu.memory_space<vmem>> -> memref<128xi32, #tpu.memory_space<vmem>>
        %dma_start3A_53 = arith.constant 0 : i32
        %dma_start3A_54 = arith.constant 0 : i32
        %dma_start3A_55 = tpu.memref_slice %arg11[%dma_start3A_53, %dma_start3A_54] : memref<10240x128xf32, #tpu.memory_space<vmem_shared>> -> memref<10240x128xf32, #tpu.memory_space<vmem_shared>>
        tpu.enqueue_indirect_dma source(%arg10 : memref<128x128xf32, #tpu.memory_space<vmem>>) target(%dma_start3A_55 : memref<10240x128xf32, #tpu.memory_space<vmem_shared>>) offsets(%dma_start3A_52 : memref<128xi32, #tpu.memory_space<vmem>>) semaphore(%run_scoped3A_49 : memref<!tpu.dma_semaphore, #tpu.memory_space<semaphore_mem>>) {add = true}
        %dma_wait3A_56 = arith.constant 0 : i32
        %dma_wait3A_57 = tpu.memref_slice %arg7[%run_scoped3A_48, %dma_wait3A_56] : memref<10x128xi32, #tpu.memory_space<vmem>> -> memref<1x128xi32, #tpu.memory_space<vmem>>
        %dma_wait3A_58 = tpu.memref_squeeze %dma_wait3A_57 : memref<1x128xi32, #tpu.memory_space<vmem>> -> memref<128xi32, #tpu.memory_space<vmem>>
        %dma_wait3A_59 = arith.constant 0 : i32
        %dma_wait3A_60 = arith.constant 0 : i32
        %dma_wait3A_61 = tpu.memref_slice %arg11[%dma_wait3A_59, %dma_wait3A_60] : memref<10240x128xf32, #tpu.memory_space<vmem_shared>> -> memref<10240x128xf32, #tpu.memory_space<vmem_shared>>
        tpu.wait_indirect_dma semaphore(%run_scoped3A_49 : memref<!tpu.dma_semaphore, #tpu.memory_space<semaphore_mem>>) src(%arg10 : memref<128x128xf32, #tpu.memory_space<vmem>>) dst(%dma_wait3A_61 : memref<10240x128xf32, #tpu.memory_space<vmem_shared>>)
        tpu.yield
      }) : () -> ()
    }
    %scan3A_6 = arith.constant 8 : i32
    %barrier3A_7 = arith.constant 0 : index
    tpu.barrier barrier_id(%barrier3A_7)
    %mul3A_8 = arith.constant 640 : i32
    %mul3A_9 = arith.muli %arg1, %mul3A_8 : i32
    %mul3A_10 = arith.constant 640 : i32
    %mul3A_11 = arith.muli %arg1, %mul3A_10 : i32
    "tpu.region"() ({
      %run_scoped3A = tpu.sem_alloc : memref<!tpu.dma_semaphore, #tpu.memory_space<semaphore_mem>>
      %dma_start3A = arith.constant 0 : i32
      %dma_start3A_12 = tpu.memref_slice %arg6[%arg0, %mul3A_11, %dma_start3A] : memref<2x10240x128xf32, #tpu.memory_space<hbm>> -> memref<1x640x128xf32, #tpu.memory_space<hbm>>
      %dma_start3A_13 = tpu.memref_squeeze %dma_start3A_12 : memref<1x640x128xf32, #tpu.memory_space<hbm>> -> memref<640x128xf32, #tpu.memory_space<hbm>>
      %dma_start3A_14 = arith.constant 0 : i32
      %dma_start3A_15 = tpu.memref_slice %arg11[%mul3A_9, %dma_start3A_14] : memref<10240x128xf32, #tpu.memory_space<vmem_shared>> -> memref<640x128xf32, #tpu.memory_space<vmem_shared>>
      tpu.enqueue_dma source(%dma_start3A_15 : memref<640x128xf32, #tpu.memory_space<vmem_shared>>) target(%dma_start3A_13 : memref<640x128xf32, #tpu.memory_space<hbm>>) target_semaphore(%run_scoped3A : memref<!tpu.dma_semaphore, #tpu.memory_space<semaphore_mem>>)
      %dma_wait3A = arith.constant 0 : i32
      %dma_wait3A_16 = tpu.memref_slice %arg6[%arg0, %mul3A_11, %dma_wait3A] : memref<2x10240x128xf32, #tpu.memory_space<hbm>> -> memref<1x640x128xf32, #tpu.memory_space<hbm>>
      %dma_wait3A_17 = tpu.memref_squeeze %dma_wait3A_16 : memref<1x640x128xf32, #tpu.memory_space<hbm>> -> memref<640x128xf32, #tpu.memory_space<hbm>>
      %dma_wait3A_18 = arith.constant 0 : i32
      %dma_wait3A_19 = tpu.memref_slice %arg11[%mul3A_9, %dma_wait3A_18] : memref<10240x128xf32, #tpu.memory_space<vmem_shared>> -> memref<640x128xf32, #tpu.memory_space<vmem_shared>>
      tpu.wait_dma2 semaphore(%run_scoped3A : memref<!tpu.dma_semaphore, #tpu.memory_space<semaphore_mem>>) src(%dma_wait3A_19 : memref<640x128xf32, #tpu.memory_space<vmem_shared>>) dst(%dma_wait3A_17 : memref<640x128xf32, #tpu.memory_space<hbm>>)
      tpu.yield
    }) : () -> ()
    return
  }
}

#map = affine_map<(d0, d1) -> (0, 0)>
#map1 = affine_map<(d0, d1) -> (0, 0, 0)>
#map2 = affine_map<(d0, d1) -> (0)>
module attributes {stable_mosaic.version = 14 : i64} {
  func.func @_v2e_body(%arg0: i32, %arg1: i32, %arg2: memref<10000x128xf32, #tpu.memory_space<hbm>>, %arg3: memref<32x80x128xi32, #tpu.memory_space<hbm>>, %arg4: memref<32x80x128xi32, #tpu.memory_space<hbm>>, %arg5: memref<10240xf32, #tpu.memory_space<hbm>>, %arg6: memref<320x128xf32, #tpu.memory_space<hbm>>, %arg7: memref<5120xf32, #tpu.memory_space<hbm>>, %arg8: memref<2x5120x128xf32, #tpu.memory_space<hbm>>, %arg9: memref<10240xf32, #tpu.memory_space<hbm>>, %arg10: memref<80x128xi32, #tpu.memory_space<vmem>>, %arg11: memref<80x128xi32, #tpu.memory_space<vmem>>, %arg12: memref<128x128xf32, #tpu.memory_space<vmem>>, %arg13: memref<128x128xf32, #tpu.memory_space<vmem>>, %arg14: memref<128xf32, #tpu.memory_space<vmem>>, %arg15: memref<128xf32, #tpu.memory_space<vmem>>, %arg16: memref<5120x128xf32, #tpu.memory_space<vmem_shared>>, %arg17: memref<5120xf32, #tpu.memory_space<vmem_shared>>, %arg18: memref<!tpu.dma_semaphore, #tpu.memory_space<semaphore_mem>>, %arg19: memref<!tpu.dma_semaphore, #tpu.memory_space<semaphore_mem>>) attributes {dimension_semantics = [#tpu.dimension_semantics<core_parallel>, #tpu.dimension_semantics<subcore_parallel>], iteration_bounds = array<i64: 2, 16>, scalar_prefetch = 0 : i64, scratch_operands = 10 : i64, tpu.core_type = #tpu.core_type<sc_vector_subcore>, window_params = [{transform_indices = #map}, {transform_indices = #map1}, {transform_indices = #map1}, {transform_indices = #map2}, {transform_indices = #map}, {transform_indices = #map2}, {transform_indices = #map1}, {transform_indices = #map2}]} {
    %mul3A = arith.constant 16 : i32
    %mul3A_0 = arith.muli %arg0, %mul3A : i32
    %add3A = arith.addi %mul3A_0, %arg1 : i32
    %mul3A_1 = arith.constant 320 : i32
    %mul3A_2 = arith.muli %arg1, %mul3A_1 : i32
    "tpu.region"() ({
      %run_scoped3A_72 = tpu.sem_alloc : memref<!tpu.dma_semaphore, #tpu.memory_space<semaphore_mem>>
      %dma_start3A_73 = arith.constant 0 : i32
      %dma_start3A_74 = tpu.memref_slice %arg16[%mul3A_2, %dma_start3A_73] : memref<5120x128xf32, #tpu.memory_space<vmem_shared>> -> memref<320x128xf32, #tpu.memory_space<vmem_shared>>
      tpu.enqueue_dma source(%arg6 : memref<320x128xf32, #tpu.memory_space<hbm>>) target(%dma_start3A_74 : memref<320x128xf32, #tpu.memory_space<vmem_shared>>) target_semaphore(%run_scoped3A_72 : memref<!tpu.dma_semaphore, #tpu.memory_space<semaphore_mem>>)
      %dma_wait3A_75 = arith.constant 0 : i32
      %dma_wait3A_76 = tpu.memref_slice %arg16[%mul3A_2, %dma_wait3A_75] : memref<5120x128xf32, #tpu.memory_space<vmem_shared>> -> memref<320x128xf32, #tpu.memory_space<vmem_shared>>
      tpu.wait_dma2 semaphore(%run_scoped3A_72 : memref<!tpu.dma_semaphore, #tpu.memory_space<semaphore_mem>>) src(%arg6 : memref<320x128xf32, #tpu.memory_space<hbm>>) dst(%dma_wait3A_76 : memref<320x128xf32, #tpu.memory_space<vmem_shared>>)
      tpu.yield
    }) : () -> ()
    %eq3A = arith.constant 0 : i32
    %eq3A_3 = arith.cmpi eq, %arg1, %eq3A : i32
    %convert_element_type3A = arith.extui %eq3A_3 : i1 to i32
    %cond3A = arith.constant 0 : i32
    %cond3A_4 = arith.cmpi ne, %convert_element_type3A, %cond3A : i32
    scf.if %cond3A_4 {
      "tpu.region"() ({
        %run_scoped3A_72 = tpu.sem_alloc : memref<!tpu.dma_semaphore, #tpu.memory_space<semaphore_mem>>
        tpu.enqueue_dma source(%arg7 : memref<5120xf32, #tpu.memory_space<hbm>>) target(%arg17 : memref<5120xf32, #tpu.memory_space<vmem_shared>>) target_semaphore(%run_scoped3A_72 : memref<!tpu.dma_semaphore, #tpu.memory_space<semaphore_mem>>)
        tpu.wait_dma2 semaphore(%run_scoped3A_72 : memref<!tpu.dma_semaphore, #tpu.memory_space<semaphore_mem>>) src(%arg7 : memref<5120xf32, #tpu.memory_space<hbm>>) dst(%arg17 : memref<5120xf32, #tpu.memory_space<vmem_shared>>)
        tpu.yield
      }) : () -> ()
    } else {
    }
    "tpu.region"() ({
      %run_scoped3A_72 = tpu.sem_alloc : memref<!tpu.dma_semaphore, #tpu.memory_space<semaphore_mem>>
      %dma_start3A_73 = arith.constant 0 : i32
      %dma_start3A_74 = arith.constant 0 : i32
      %dma_start3A_75 = tpu.memref_slice %arg3[%add3A, %dma_start3A_73, %dma_start3A_74] : memref<32x80x128xi32, #tpu.memory_space<hbm>> -> memref<1x80x128xi32, #tpu.memory_space<hbm>>
      %dma_start3A_76 = tpu.memref_squeeze %dma_start3A_75 : memref<1x80x128xi32, #tpu.memory_space<hbm>> -> memref<80x128xi32, #tpu.memory_space<hbm>>
      %dma_start3A_77 = arith.constant 0 : i32
      %dma_start3A_78 = arith.constant 0 : i32
      %dma_start3A_79 = tpu.memref_slice %arg3[%add3A, %dma_start3A_77, %dma_start3A_78] : memref<32x80x128xi32, #tpu.memory_space<hbm>> -> memref<1x80x128xi32, #tpu.memory_space<hbm>>
      %dma_start3A_80 = tpu.memref_squeeze %dma_start3A_79 : memref<1x80x128xi32, #tpu.memory_space<hbm>> -> memref<80x128xi32, #tpu.memory_space<hbm>>
      tpu.enqueue_dma source(%dma_start3A_80 : memref<80x128xi32, #tpu.memory_space<hbm>>) target(%arg10 : memref<80x128xi32, #tpu.memory_space<vmem>>) target_semaphore(%run_scoped3A_72 : memref<!tpu.dma_semaphore, #tpu.memory_space<semaphore_mem>>)
      %dma_wait3A_81 = arith.constant 0 : i32
      %dma_wait3A_82 = arith.constant 0 : i32
      %dma_wait3A_83 = tpu.memref_slice %arg3[%add3A, %dma_wait3A_81, %dma_wait3A_82] : memref<32x80x128xi32, #tpu.memory_space<hbm>> -> memref<1x80x128xi32, #tpu.memory_space<hbm>>
      %dma_wait3A_84 = tpu.memref_squeeze %dma_wait3A_83 : memref<1x80x128xi32, #tpu.memory_space<hbm>> -> memref<80x128xi32, #tpu.memory_space<hbm>>
      %dma_wait3A_85 = arith.constant 0 : i32
      %dma_wait3A_86 = arith.constant 0 : i32
      %dma_wait3A_87 = tpu.memref_slice %arg3[%add3A, %dma_wait3A_85, %dma_wait3A_86] : memref<32x80x128xi32, #tpu.memory_space<hbm>> -> memref<1x80x128xi32, #tpu.memory_space<hbm>>
      %dma_wait3A_88 = tpu.memref_squeeze %dma_wait3A_87 : memref<1x80x128xi32, #tpu.memory_space<hbm>> -> memref<80x128xi32, #tpu.memory_space<hbm>>
      tpu.wait_dma2 semaphore(%run_scoped3A_72 : memref<!tpu.dma_semaphore, #tpu.memory_space<semaphore_mem>>) src(%dma_wait3A_88 : memref<80x128xi32, #tpu.memory_space<hbm>>) dst(%arg10 : memref<80x128xi32, #tpu.memory_space<vmem>>)
      tpu.yield
    }) : () -> ()
    "tpu.region"() ({
      %run_scoped3A_72 = tpu.sem_alloc : memref<!tpu.dma_semaphore, #tpu.memory_space<semaphore_mem>>
      %dma_start3A_73 = arith.constant 0 : i32
      %dma_start3A_74 = arith.constant 0 : i32
      %dma_start3A_75 = tpu.memref_slice %arg4[%add3A, %dma_start3A_73, %dma_start3A_74] : memref<32x80x128xi32, #tpu.memory_space<hbm>> -> memref<1x80x128xi32, #tpu.memory_space<hbm>>
      %dma_start3A_76 = tpu.memref_squeeze %dma_start3A_75 : memref<1x80x128xi32, #tpu.memory_space<hbm>> -> memref<80x128xi32, #tpu.memory_space<hbm>>
      %dma_start3A_77 = arith.constant 0 : i32
      %dma_start3A_78 = arith.constant 0 : i32
      %dma_start3A_79 = tpu.memref_slice %arg4[%add3A, %dma_start3A_77, %dma_start3A_78] : memref<32x80x128xi32, #tpu.memory_space<hbm>> -> memref<1x80x128xi32, #tpu.memory_space<hbm>>
      %dma_start3A_80 = tpu.memref_squeeze %dma_start3A_79 : memref<1x80x128xi32, #tpu.memory_space<hbm>> -> memref<80x128xi32, #tpu.memory_space<hbm>>
      tpu.enqueue_dma source(%dma_start3A_80 : memref<80x128xi32, #tpu.memory_space<hbm>>) target(%arg11 : memref<80x128xi32, #tpu.memory_space<vmem>>) target_semaphore(%run_scoped3A_72 : memref<!tpu.dma_semaphore, #tpu.memory_space<semaphore_mem>>)
      %dma_wait3A_81 = arith.constant 0 : i32
      %dma_wait3A_82 = arith.constant 0 : i32
      %dma_wait3A_83 = tpu.memref_slice %arg4[%add3A, %dma_wait3A_81, %dma_wait3A_82] : memref<32x80x128xi32, #tpu.memory_space<hbm>> -> memref<1x80x128xi32, #tpu.memory_space<hbm>>
      %dma_wait3A_84 = tpu.memref_squeeze %dma_wait3A_83 : memref<1x80x128xi32, #tpu.memory_space<hbm>> -> memref<80x128xi32, #tpu.memory_space<hbm>>
      %dma_wait3A_85 = arith.constant 0 : i32
      %dma_wait3A_86 = arith.constant 0 : i32
      %dma_wait3A_87 = tpu.memref_slice %arg4[%add3A, %dma_wait3A_85, %dma_wait3A_86] : memref<32x80x128xi32, #tpu.memory_space<hbm>> -> memref<1x80x128xi32, #tpu.memory_space<hbm>>
      %dma_wait3A_88 = tpu.memref_squeeze %dma_wait3A_87 : memref<1x80x128xi32, #tpu.memory_space<hbm>> -> memref<80x128xi32, #tpu.memory_space<hbm>>
      tpu.wait_dma2 semaphore(%run_scoped3A_72 : memref<!tpu.dma_semaphore, #tpu.memory_space<semaphore_mem>>) src(%dma_wait3A_88 : memref<80x128xi32, #tpu.memory_space<hbm>>) dst(%arg11 : memref<80x128xi32, #tpu.memory_space<vmem>>)
      tpu.yield
    }) : () -> ()
    %dma_start3A = arith.constant 0 : i32
    %dma_start3A_5 = arith.constant 0 : i32
    %dma_start3A_6 = tpu.memref_slice %arg10[%dma_start3A, %dma_start3A_5] : memref<80x128xi32, #tpu.memory_space<vmem>> -> memref<1x128xi32, #tpu.memory_space<vmem>>
    %dma_start3A_7 = tpu.memref_squeeze %dma_start3A_6 : memref<1x128xi32, #tpu.memory_space<vmem>> -> memref<128xi32, #tpu.memory_space<vmem>>
    %dma_start3A_8 = arith.constant 0 : i32
    %dma_start3A_9 = arith.constant 0 : i32
    %dma_start3A_10 = tpu.memref_slice %arg2[%dma_start3A_8, %dma_start3A_9] : memref<10000x128xf32, #tpu.memory_space<hbm>> -> memref<10000x128xf32, #tpu.memory_space<hbm>>
    tpu.enqueue_indirect_dma source(%dma_start3A_10 : memref<10000x128xf32, #tpu.memory_space<hbm>>) target(%arg12 : memref<128x128xf32, #tpu.memory_space<vmem>>) offsets(%dma_start3A_7 : memref<128xi32, #tpu.memory_space<vmem>>) semaphore(%arg18 : memref<!tpu.dma_semaphore, #tpu.memory_space<semaphore_mem>>)
    %dma_start3A_11 = arith.constant 0 : i32
    %dma_start3A_12 = arith.constant 0 : i32
    %dma_start3A_13 = tpu.memref_slice %arg10[%dma_start3A_11, %dma_start3A_12] : memref<80x128xi32, #tpu.memory_space<vmem>> -> memref<1x128xi32, #tpu.memory_space<vmem>>
    %dma_start3A_14 = tpu.memref_squeeze %dma_start3A_13 : memref<1x128xi32, #tpu.memory_space<vmem>> -> memref<128xi32, #tpu.memory_space<vmem>>
    %dma_start3A_15 = arith.constant 0 : i32
    %dma_start3A_16 = tpu.memref_slice %arg5[%dma_start3A_15] : memref<10240xf32, #tpu.memory_space<hbm>> -> memref<10240xf32, #tpu.memory_space<hbm>>
    tpu.enqueue_indirect_dma source(%dma_start3A_16 : memref<10240xf32, #tpu.memory_space<hbm>>) target(%arg14 : memref<128xf32, #tpu.memory_space<vmem>>) offsets(%dma_start3A_14 : memref<128xi32, #tpu.memory_space<vmem>>) semaphore(%arg19 : memref<!tpu.dma_semaphore, #tpu.memory_space<semaphore_mem>>)
    %barrier3A = arith.constant 0 : index
    tpu.barrier barrier_id(%barrier3A)
    %scan3A = arith.constant 0 : i32
    %scan3A_17 = arith.constant 39 : i32
    %scan3A_18 = arith.addi %scan3A, %scan3A_17 : i32
    %scan3A_19 = arith.constant 1 : i32
    scf.for %scan3A_72 = %scan3A to %scan3A_18 step %scan3A_19  : i32 {
      %mul3A_73 = arith.constant 1 : i32
      %mul3A_74 = arith.muli %scan3A_72, %mul3A_73 : i32
      %add3A_75 = arith.constant 0 : i32
      %add3A_76 = arith.addi %add3A_75, %mul3A_74 : i32
      %mul3A_77 = arith.constant 2 : i32
      %mul3A_78 = arith.muli %mul3A_77, %add3A_76 : i32
      %dma_wait3A_79 = arith.constant 0 : i32
      %dma_wait3A_80 = tpu.memref_slice %arg10[%mul3A_78, %dma_wait3A_79] : memref<80x128xi32, #tpu.memory_space<vmem>> -> memref<1x128xi32, #tpu.memory_space<vmem>>
      %dma_wait3A_81 = tpu.memref_squeeze %dma_wait3A_80 : memref<1x128xi32, #tpu.memory_space<vmem>> -> memref<128xi32, #tpu.memory_space<vmem>>
      %dma_wait3A_82 = arith.constant 0 : i32
      %dma_wait3A_83 = arith.constant 0 : i32
      %dma_wait3A_84 = tpu.memref_slice %arg2[%dma_wait3A_82, %dma_wait3A_83] : memref<10000x128xf32, #tpu.memory_space<hbm>> -> memref<10000x128xf32, #tpu.memory_space<hbm>>
      tpu.wait_indirect_dma semaphore(%arg18 : memref<!tpu.dma_semaphore, #tpu.memory_space<semaphore_mem>>) src(%dma_wait3A_84 : memref<10000x128xf32, #tpu.memory_space<hbm>>) dst(%arg12 : memref<128x128xf32, #tpu.memory_space<vmem>>)
      %dma_wait3A_85 = arith.constant 0 : i32
      %dma_wait3A_86 = tpu.memref_slice %arg10[%mul3A_78, %dma_wait3A_85] : memref<80x128xi32, #tpu.memory_space<vmem>> -> memref<1x128xi32, #tpu.memory_space<vmem>>
      %dma_wait3A_87 = tpu.memref_squeeze %dma_wait3A_86 : memref<1x128xi32, #tpu.memory_space<vmem>> -> memref<128xi32, #tpu.memory_space<vmem>>
      %dma_wait3A_88 = arith.constant 0 : i32
      %dma_wait3A_89 = tpu.memref_slice %arg5[%dma_wait3A_88] : memref<10240xf32, #tpu.memory_space<hbm>> -> memref<10240xf32, #tpu.memory_space<hbm>>
      tpu.wait_indirect_dma semaphore(%arg19 : memref<!tpu.dma_semaphore, #tpu.memory_space<semaphore_mem>>) src(%dma_wait3A_89 : memref<10240xf32, #tpu.memory_space<hbm>>) dst(%arg14 : memref<128xf32, #tpu.memory_space<vmem>>)
      %add3A_90 = arith.constant 1 : i32
      %add3A_91 = arith.addi %mul3A_78, %add3A_90 : i32
      %dma_start3A_92 = arith.constant 0 : i32
      %dma_start3A_93 = tpu.memref_slice %arg10[%add3A_91, %dma_start3A_92] : memref<80x128xi32, #tpu.memory_space<vmem>> -> memref<1x128xi32, #tpu.memory_space<vmem>>
      %dma_start3A_94 = tpu.memref_squeeze %dma_start3A_93 : memref<1x128xi32, #tpu.memory_space<vmem>> -> memref<128xi32, #tpu.memory_space<vmem>>
      %dma_start3A_95 = arith.constant 0 : i32
      %dma_start3A_96 = arith.constant 0 : i32
      %dma_start3A_97 = tpu.memref_slice %arg2[%dma_start3A_95, %dma_start3A_96] : memref<10000x128xf32, #tpu.memory_space<hbm>> -> memref<10000x128xf32, #tpu.memory_space<hbm>>
      tpu.enqueue_indirect_dma source(%dma_start3A_97 : memref<10000x128xf32, #tpu.memory_space<hbm>>) target(%arg13 : memref<128x128xf32, #tpu.memory_space<vmem>>) offsets(%dma_start3A_94 : memref<128xi32, #tpu.memory_space<vmem>>) semaphore(%arg18 : memref<!tpu.dma_semaphore, #tpu.memory_space<semaphore_mem>>)
      %add3A_98 = arith.constant 1 : i32
      %add3A_99 = arith.addi %mul3A_78, %add3A_98 : i32
      %dma_start3A_100 = arith.constant 0 : i32
      %dma_start3A_101 = tpu.memref_slice %arg10[%add3A_99, %dma_start3A_100] : memref<80x128xi32, #tpu.memory_space<vmem>> -> memref<1x128xi32, #tpu.memory_space<vmem>>
      %dma_start3A_102 = tpu.memref_squeeze %dma_start3A_101 : memref<1x128xi32, #tpu.memory_space<vmem>> -> memref<128xi32, #tpu.memory_space<vmem>>
      %dma_start3A_103 = arith.constant 0 : i32
      %dma_start3A_104 = tpu.memref_slice %arg5[%dma_start3A_103] : memref<10240xf32, #tpu.memory_space<hbm>> -> memref<10240xf32, #tpu.memory_space<hbm>>
      tpu.enqueue_indirect_dma source(%dma_start3A_104 : memref<10240xf32, #tpu.memory_space<hbm>>) target(%arg15 : memref<128xf32, #tpu.memory_space<vmem>>) offsets(%dma_start3A_102 : memref<128xi32, #tpu.memory_space<vmem>>) semaphore(%arg19 : memref<!tpu.dma_semaphore, #tpu.memory_space<semaphore_mem>>)
      "tpu.region"() ({
        %run_scoped3A_135 = tpu.sem_alloc : memref<!tpu.dma_semaphore, #tpu.memory_space<semaphore_mem>>
        %dma_start3A_136 = arith.constant 0 : i32
        %dma_start3A_137 = tpu.memref_slice %arg11[%mul3A_78, %dma_start3A_136] : memref<80x128xi32, #tpu.memory_space<vmem>> -> memref<1x128xi32, #tpu.memory_space<vmem>>
        %dma_start3A_138 = tpu.memref_squeeze %dma_start3A_137 : memref<1x128xi32, #tpu.memory_space<vmem>> -> memref<128xi32, #tpu.memory_space<vmem>>
        %dma_start3A_139 = arith.constant 0 : i32
        %dma_start3A_140 = arith.constant 0 : i32
        %dma_start3A_141 = tpu.memref_slice %arg16[%dma_start3A_139, %dma_start3A_140] : memref<5120x128xf32, #tpu.memory_space<vmem_shared>> -> memref<5120x128xf32, #tpu.memory_space<vmem_shared>>
        tpu.enqueue_indirect_dma source(%arg12 : memref<128x128xf32, #tpu.memory_space<vmem>>) target(%dma_start3A_141 : memref<5120x128xf32, #tpu.memory_space<vmem_shared>>) offsets(%dma_start3A_138 : memref<128xi32, #tpu.memory_space<vmem>>) semaphore(%run_scoped3A_135 : memref<!tpu.dma_semaphore, #tpu.memory_space<semaphore_mem>>) {add = true}
        %dma_wait3A_142 = arith.constant 0 : i32
        %dma_wait3A_143 = tpu.memref_slice %arg11[%mul3A_78, %dma_wait3A_142] : memref<80x128xi32, #tpu.memory_space<vmem>> -> memref<1x128xi32, #tpu.memory_space<vmem>>
        %dma_wait3A_144 = tpu.memref_squeeze %dma_wait3A_143 : memref<1x128xi32, #tpu.memory_space<vmem>> -> memref<128xi32, #tpu.memory_space<vmem>>
        %dma_wait3A_145 = arith.constant 0 : i32
        %dma_wait3A_146 = arith.constant 0 : i32
        %dma_wait3A_147 = tpu.memref_slice %arg16[%dma_wait3A_145, %dma_wait3A_146] : memref<5120x128xf32, #tpu.memory_space<vmem_shared>> -> memref<5120x128xf32, #tpu.memory_space<vmem_shared>>
        tpu.wait_indirect_dma semaphore(%run_scoped3A_135 : memref<!tpu.dma_semaphore, #tpu.memory_space<semaphore_mem>>) src(%arg12 : memref<128x128xf32, #tpu.memory_space<vmem>>) dst(%dma_wait3A_147 : memref<5120x128xf32, #tpu.memory_space<vmem_shared>>)
        tpu.yield
      }) : () -> ()
      "tpu.region"() ({
        %run_scoped3A_135 = tpu.sem_alloc : memref<!tpu.dma_semaphore, #tpu.memory_space<semaphore_mem>>
        %dma_start3A_136 = arith.constant 0 : i32
        %dma_start3A_137 = tpu.memref_slice %arg11[%mul3A_78, %dma_start3A_136] : memref<80x128xi32, #tpu.memory_space<vmem>> -> memref<1x128xi32, #tpu.memory_space<vmem>>
        %dma_start3A_138 = tpu.memref_squeeze %dma_start3A_137 : memref<1x128xi32, #tpu.memory_space<vmem>> -> memref<128xi32, #tpu.memory_space<vmem>>
        %dma_start3A_139 = arith.constant 0 : i32
        %dma_start3A_140 = tpu.memref_slice %arg17[%dma_start3A_139] : memref<5120xf32, #tpu.memory_space<vmem_shared>> -> memref<5120xf32, #tpu.memory_space<vmem_shared>>
        tpu.enqueue_indirect_dma source(%arg14 : memref<128xf32, #tpu.memory_space<vmem>>) target(%dma_start3A_140 : memref<5120xf32, #tpu.memory_space<vmem_shared>>) offsets(%dma_start3A_138 : memref<128xi32, #tpu.memory_space<vmem>>) semaphore(%run_scoped3A_135 : memref<!tpu.dma_semaphore, #tpu.memory_space<semaphore_mem>>) {add = true}
        %dma_wait3A_141 = arith.constant 0 : i32
        %dma_wait3A_142 = tpu.memref_slice %arg11[%mul3A_78, %dma_wait3A_141] : memref<80x128xi32, #tpu.memory_space<vmem>> -> memref<1x128xi32, #tpu.memory_space<vmem>>
        %dma_wait3A_143 = tpu.memref_squeeze %dma_wait3A_142 : memref<1x128xi32, #tpu.memory_space<vmem>> -> memref<128xi32, #tpu.memory_space<vmem>>
        %dma_wait3A_144 = arith.constant 0 : i32
        %dma_wait3A_145 = tpu.memref_slice %arg17[%dma_wait3A_144] : memref<5120xf32, #tpu.memory_space<vmem_shared>> -> memref<5120xf32, #tpu.memory_space<vmem_shared>>
        tpu.wait_indirect_dma semaphore(%run_scoped3A_135 : memref<!tpu.dma_semaphore, #tpu.memory_space<semaphore_mem>>) src(%arg14 : memref<128xf32, #tpu.memory_space<vmem>>) dst(%dma_wait3A_145 : memref<5120xf32, #tpu.memory_space<vmem_shared>>)
        tpu.yield
      }) : () -> ()
      %mul3A_105 = arith.constant 2 : i32
      %mul3A_106 = arith.muli %mul3A_105, %add3A_76 : i32
      %add3A_107 = arith.constant 1 : i32
      %add3A_108 = arith.addi %mul3A_106, %add3A_107 : i32
      %dma_wait3A_109 = arith.constant 0 : i32
      %dma_wait3A_110 = tpu.memref_slice %arg10[%add3A_108, %dma_wait3A_109] : memref<80x128xi32, #tpu.memory_space<vmem>> -> memref<1x128xi32, #tpu.memory_space<vmem>>
      %dma_wait3A_111 = tpu.memref_squeeze %dma_wait3A_110 : memref<1x128xi32, #tpu.memory_space<vmem>> -> memref<128xi32, #tpu.memory_space<vmem>>
      %dma_wait3A_112 = arith.constant 0 : i32
      %dma_wait3A_113 = arith.constant 0 : i32
      %dma_wait3A_114 = tpu.memref_slice %arg2[%dma_wait3A_112, %dma_wait3A_113] : memref<10000x128xf32, #tpu.memory_space<hbm>> -> memref<10000x128xf32, #tpu.memory_space<hbm>>
      tpu.wait_indirect_dma semaphore(%arg18 : memref<!tpu.dma_semaphore, #tpu.memory_space<semaphore_mem>>) src(%dma_wait3A_114 : memref<10000x128xf32, #tpu.memory_space<hbm>>) dst(%arg13 : memref<128x128xf32, #tpu.memory_space<vmem>>)
      %dma_wait3A_115 = arith.constant 0 : i32
      %dma_wait3A_116 = tpu.memref_slice %arg10[%add3A_108, %dma_wait3A_115] : memref<80x128xi32, #tpu.memory_space<vmem>> -> memref<1x128xi32, #tpu.memory_space<vmem>>
      %dma_wait3A_117 = tpu.memref_squeeze %dma_wait3A_116 : memref<1x128xi32, #tpu.memory_space<vmem>> -> memref<128xi32, #tpu.memory_space<vmem>>
      %dma_wait3A_118 = arith.constant 0 : i32
      %dma_wait3A_119 = tpu.memref_slice %arg5[%dma_wait3A_118] : memref<10240xf32, #tpu.memory_space<hbm>> -> memref<10240xf32, #tpu.memory_space<hbm>>
      tpu.wait_indirect_dma semaphore(%arg19 : memref<!tpu.dma_semaphore, #tpu.memory_space<semaphore_mem>>) src(%dma_wait3A_119 : memref<10240xf32, #tpu.memory_space<hbm>>) dst(%arg15 : memref<128xf32, #tpu.memory_space<vmem>>)
      %add3A_120 = arith.constant 1 : i32
      %add3A_121 = arith.addi %add3A_108, %add3A_120 : i32
      %dma_start3A_122 = arith.constant 0 : i32
      %dma_start3A_123 = tpu.memref_slice %arg10[%add3A_121, %dma_start3A_122] : memref<80x128xi32, #tpu.memory_space<vmem>> -> memref<1x128xi32, #tpu.memory_space<vmem>>
      %dma_start3A_124 = tpu.memref_squeeze %dma_start3A_123 : memref<1x128xi32, #tpu.memory_space<vmem>> -> memref<128xi32, #tpu.memory_space<vmem>>
      %dma_start3A_125 = arith.constant 0 : i32
      %dma_start3A_126 = arith.constant 0 : i32
      %dma_start3A_127 = tpu.memref_slice %arg2[%dma_start3A_125, %dma_start3A_126] : memref<10000x128xf32, #tpu.memory_space<hbm>> -> memref<10000x128xf32, #tpu.memory_space<hbm>>
      tpu.enqueue_indirect_dma source(%dma_start3A_127 : memref<10000x128xf32, #tpu.memory_space<hbm>>) target(%arg12 : memref<128x128xf32, #tpu.memory_space<vmem>>) offsets(%dma_start3A_124 : memref<128xi32, #tpu.memory_space<vmem>>) semaphore(%arg18 : memref<!tpu.dma_semaphore, #tpu.memory_space<semaphore_mem>>)
      %add3A_128 = arith.constant 1 : i32
      %add3A_129 = arith.addi %add3A_108, %add3A_128 : i32
      %dma_start3A_130 = arith.constant 0 : i32
      %dma_start3A_131 = tpu.memref_slice %arg10[%add3A_129, %dma_start3A_130] : memref<80x128xi32, #tpu.memory_space<vmem>> -> memref<1x128xi32, #tpu.memory_space<vmem>>
      %dma_start3A_132 = tpu.memref_squeeze %dma_start3A_131 : memref<1x128xi32, #tpu.memory_space<vmem>> -> memref<128xi32, #tpu.memory_space<vmem>>
      %dma_start3A_133 = arith.constant 0 : i32
      %dma_start3A_134 = tpu.memref_slice %arg5[%dma_start3A_133] : memref<10240xf32, #tpu.memory_space<hbm>> -> memref<10240xf32, #tpu.memory_space<hbm>>
      tpu.enqueue_indirect_dma source(%dma_start3A_134 : memref<10240xf32, #tpu.memory_space<hbm>>) target(%arg14 : memref<128xf32, #tpu.memory_space<vmem>>) offsets(%dma_start3A_132 : memref<128xi32, #tpu.memory_space<vmem>>) semaphore(%arg19 : memref<!tpu.dma_semaphore, #tpu.memory_space<semaphore_mem>>)
      "tpu.region"() ({
        %run_scoped3A_135 = tpu.sem_alloc : memref<!tpu.dma_semaphore, #tpu.memory_space<semaphore_mem>>
        %dma_start3A_136 = arith.constant 0 : i32
        %dma_start3A_137 = tpu.memref_slice %arg11[%add3A_108, %dma_start3A_136] : memref<80x128xi32, #tpu.memory_space<vmem>> -> memref<1x128xi32, #tpu.memory_space<vmem>>
        %dma_start3A_138 = tpu.memref_squeeze %dma_start3A_137 : memref<1x128xi32, #tpu.memory_space<vmem>> -> memref<128xi32, #tpu.memory_space<vmem>>
        %dma_start3A_139 = arith.constant 0 : i32
        %dma_start3A_140 = arith.constant 0 : i32
        %dma_start3A_141 = tpu.memref_slice %arg16[%dma_start3A_139, %dma_start3A_140] : memref<5120x128xf32, #tpu.memory_space<vmem_shared>> -> memref<5120x128xf32, #tpu.memory_space<vmem_shared>>
        tpu.enqueue_indirect_dma source(%arg13 : memref<128x128xf32, #tpu.memory_space<vmem>>) target(%dma_start3A_141 : memref<5120x128xf32, #tpu.memory_space<vmem_shared>>) offsets(%dma_start3A_138 : memref<128xi32, #tpu.memory_space<vmem>>) semaphore(%run_scoped3A_135 : memref<!tpu.dma_semaphore, #tpu.memory_space<semaphore_mem>>) {add = true}
        %dma_wait3A_142 = arith.constant 0 : i32
        %dma_wait3A_143 = tpu.memref_slice %arg11[%add3A_108, %dma_wait3A_142] : memref<80x128xi32, #tpu.memory_space<vmem>> -> memref<1x128xi32, #tpu.memory_space<vmem>>
        %dma_wait3A_144 = tpu.memref_squeeze %dma_wait3A_143 : memref<1x128xi32, #tpu.memory_space<vmem>> -> memref<128xi32, #tpu.memory_space<vmem>>
        %dma_wait3A_145 = arith.constant 0 : i32
        %dma_wait3A_146 = arith.constant 0 : i32
        %dma_wait3A_147 = tpu.memref_slice %arg16[%dma_wait3A_145, %dma_wait3A_146] : memref<5120x128xf32, #tpu.memory_space<vmem_shared>> -> memref<5120x128xf32, #tpu.memory_space<vmem_shared>>
        tpu.wait_indirect_dma semaphore(%run_scoped3A_135 : memref<!tpu.dma_semaphore, #tpu.memory_space<semaphore_mem>>) src(%arg13 : memref<128x128xf32, #tpu.memory_space<vmem>>) dst(%dma_wait3A_147 : memref<5120x128xf32, #tpu.memory_space<vmem_shared>>)
        tpu.yield
      }) : () -> ()
      "tpu.region"() ({
        %run_scoped3A_135 = tpu.sem_alloc : memref<!tpu.dma_semaphore, #tpu.memory_space<semaphore_mem>>
        %dma_start3A_136 = arith.constant 0 : i32
        %dma_start3A_137 = tpu.memref_slice %arg11[%add3A_108, %dma_start3A_136] : memref<80x128xi32, #tpu.memory_space<vmem>> -> memref<1x128xi32, #tpu.memory_space<vmem>>
        %dma_start3A_138 = tpu.memref_squeeze %dma_start3A_137 : memref<1x128xi32, #tpu.memory_space<vmem>> -> memref<128xi32, #tpu.memory_space<vmem>>
        %dma_start3A_139 = arith.constant 0 : i32
        %dma_start3A_140 = tpu.memref_slice %arg17[%dma_start3A_139] : memref<5120xf32, #tpu.memory_space<vmem_shared>> -> memref<5120xf32, #tpu.memory_space<vmem_shared>>
        tpu.enqueue_indirect_dma source(%arg15 : memref<128xf32, #tpu.memory_space<vmem>>) target(%dma_start3A_140 : memref<5120xf32, #tpu.memory_space<vmem_shared>>) offsets(%dma_start3A_138 : memref<128xi32, #tpu.memory_space<vmem>>) semaphore(%run_scoped3A_135 : memref<!tpu.dma_semaphore, #tpu.memory_space<semaphore_mem>>) {add = true}
        %dma_wait3A_141 = arith.constant 0 : i32
        %dma_wait3A_142 = tpu.memref_slice %arg11[%add3A_108, %dma_wait3A_141] : memref<80x128xi32, #tpu.memory_space<vmem>> -> memref<1x128xi32, #tpu.memory_space<vmem>>
        %dma_wait3A_143 = tpu.memref_squeeze %dma_wait3A_142 : memref<1x128xi32, #tpu.memory_space<vmem>> -> memref<128xi32, #tpu.memory_space<vmem>>
        %dma_wait3A_144 = arith.constant 0 : i32
        %dma_wait3A_145 = tpu.memref_slice %arg17[%dma_wait3A_144] : memref<5120xf32, #tpu.memory_space<vmem_shared>> -> memref<5120xf32, #tpu.memory_space<vmem_shared>>
        tpu.wait_indirect_dma semaphore(%run_scoped3A_135 : memref<!tpu.dma_semaphore, #tpu.memory_space<semaphore_mem>>) src(%arg15 : memref<128xf32, #tpu.memory_space<vmem>>) dst(%dma_wait3A_145 : memref<5120xf32, #tpu.memory_space<vmem_shared>>)
        tpu.yield
      }) : () -> ()
    }
    %scan3A_20 = arith.constant 39 : i32
    %dma_wait3A = arith.constant 78 : i32
    %dma_wait3A_21 = arith.constant 0 : i32
    %dma_wait3A_22 = tpu.memref_slice %arg10[%dma_wait3A, %dma_wait3A_21] : memref<80x128xi32, #tpu.memory_space<vmem>> -> memref<1x128xi32, #tpu.memory_space<vmem>>
    %dma_wait3A_23 = tpu.memref_squeeze %dma_wait3A_22 : memref<1x128xi32, #tpu.memory_space<vmem>> -> memref<128xi32, #tpu.memory_space<vmem>>
    %dma_wait3A_24 = arith.constant 0 : i32
    %dma_wait3A_25 = arith.constant 0 : i32
    %dma_wait3A_26 = tpu.memref_slice %arg2[%dma_wait3A_24, %dma_wait3A_25] : memref<10000x128xf32, #tpu.memory_space<hbm>> -> memref<10000x128xf32, #tpu.memory_space<hbm>>
    tpu.wait_indirect_dma semaphore(%arg18 : memref<!tpu.dma_semaphore, #tpu.memory_space<semaphore_mem>>) src(%dma_wait3A_26 : memref<10000x128xf32, #tpu.memory_space<hbm>>) dst(%arg12 : memref<128x128xf32, #tpu.memory_space<vmem>>)
    %dma_wait3A_27 = arith.constant 78 : i32
    %dma_wait3A_28 = arith.constant 0 : i32
    %dma_wait3A_29 = tpu.memref_slice %arg10[%dma_wait3A_27, %dma_wait3A_28] : memref<80x128xi32, #tpu.memory_space<vmem>> -> memref<1x128xi32, #tpu.memory_space<vmem>>
    %dma_wait3A_30 = tpu.memref_squeeze %dma_wait3A_29 : memref<1x128xi32, #tpu.memory_space<vmem>> -> memref<128xi32, #tpu.memory_space<vmem>>
    %dma_wait3A_31 = arith.constant 0 : i32
    %dma_wait3A_32 = tpu.memref_slice %arg5[%dma_wait3A_31] : memref<10240xf32, #tpu.memory_space<hbm>> -> memref<10240xf32, #tpu.memory_space<hbm>>
    tpu.wait_indirect_dma semaphore(%arg19 : memref<!tpu.dma_semaphore, #tpu.memory_space<semaphore_mem>>) src(%dma_wait3A_32 : memref<10240xf32, #tpu.memory_space<hbm>>) dst(%arg14 : memref<128xf32, #tpu.memory_space<vmem>>)
    %dma_start3A_33 = arith.constant 79 : i32
    %dma_start3A_34 = arith.constant 0 : i32
    %dma_start3A_35 = tpu.memref_slice %arg10[%dma_start3A_33, %dma_start3A_34] : memref<80x128xi32, #tpu.memory_space<vmem>> -> memref<1x128xi32, #tpu.memory_space<vmem>>
    %dma_start3A_36 = tpu.memref_squeeze %dma_start3A_35 : memref<1x128xi32, #tpu.memory_space<vmem>> -> memref<128xi32, #tpu.memory_space<vmem>>
    %dma_start3A_37 = arith.constant 0 : i32
    %dma_start3A_38 = arith.constant 0 : i32
    %dma_start3A_39 = tpu.memref_slice %arg2[%dma_start3A_37, %dma_start3A_38] : memref<10000x128xf32, #tpu.memory_space<hbm>> -> memref<10000x128xf32, #tpu.memory_space<hbm>>
    tpu.enqueue_indirect_dma source(%dma_start3A_39 : memref<10000x128xf32, #tpu.memory_space<hbm>>) target(%arg13 : memref<128x128xf32, #tpu.memory_space<vmem>>) offsets(%dma_start3A_36 : memref<128xi32, #tpu.memory_space<vmem>>) semaphore(%arg18 : memref<!tpu.dma_semaphore, #tpu.memory_space<semaphore_mem>>)
    %dma_start3A_40 = arith.constant 79 : i32
    %dma_start3A_41 = arith.constant 0 : i32
    %dma_start3A_42 = tpu.memref_slice %arg10[%dma_start3A_40, %dma_start3A_41] : memref<80x128xi32, #tpu.memory_space<vmem>> -> memref<1x128xi32, #tpu.memory_space<vmem>>
    %dma_start3A_43 = tpu.memref_squeeze %dma_start3A_42 : memref<1x128xi32, #tpu.memory_space<vmem>> -> memref<128xi32, #tpu.memory_space<vmem>>
    %dma_start3A_44 = arith.constant 0 : i32
    %dma_start3A_45 = tpu.memref_slice %arg5[%dma_start3A_44] : memref<10240xf32, #tpu.memory_space<hbm>> -> memref<10240xf32, #tpu.memory_space<hbm>>
    tpu.enqueue_indirect_dma source(%dma_start3A_45 : memref<10240xf32, #tpu.memory_space<hbm>>) target(%arg15 : memref<128xf32, #tpu.memory_space<vmem>>) offsets(%dma_start3A_43 : memref<128xi32, #tpu.memory_space<vmem>>) semaphore(%arg19 : memref<!tpu.dma_semaphore, #tpu.memory_space<semaphore_mem>>)
    %run_scoped3A = arith.constant 78 : i32
    "tpu.region"() ({
      %run_scoped3A_72 = tpu.sem_alloc : memref<!tpu.dma_semaphore, #tpu.memory_space<semaphore_mem>>
      %dma_start3A_73 = arith.constant 0 : i32
      %dma_start3A_74 = tpu.memref_slice %arg11[%run_scoped3A, %dma_start3A_73] : memref<80x128xi32, #tpu.memory_space<vmem>> -> memref<1x128xi32, #tpu.memory_space<vmem>>
      %dma_start3A_75 = tpu.memref_squeeze %dma_start3A_74 : memref<1x128xi32, #tpu.memory_space<vmem>> -> memref<128xi32, #tpu.memory_space<vmem>>
      %dma_start3A_76 = arith.constant 0 : i32
      %dma_start3A_77 = arith.constant 0 : i32
      %dma_start3A_78 = tpu.memref_slice %arg16[%dma_start3A_76, %dma_start3A_77] : memref<5120x128xf32, #tpu.memory_space<vmem_shared>> -> memref<5120x128xf32, #tpu.memory_space<vmem_shared>>
      tpu.enqueue_indirect_dma source(%arg12 : memref<128x128xf32, #tpu.memory_space<vmem>>) target(%dma_start3A_78 : memref<5120x128xf32, #tpu.memory_space<vmem_shared>>) offsets(%dma_start3A_75 : memref<128xi32, #tpu.memory_space<vmem>>) semaphore(%run_scoped3A_72 : memref<!tpu.dma_semaphore, #tpu.memory_space<semaphore_mem>>) {add = true}
      %dma_wait3A_79 = arith.constant 0 : i32
      %dma_wait3A_80 = tpu.memref_slice %arg11[%run_scoped3A, %dma_wait3A_79] : memref<80x128xi32, #tpu.memory_space<vmem>> -> memref<1x128xi32, #tpu.memory_space<vmem>>
      %dma_wait3A_81 = tpu.memref_squeeze %dma_wait3A_80 : memref<1x128xi32, #tpu.memory_space<vmem>> -> memref<128xi32, #tpu.memory_space<vmem>>
      %dma_wait3A_82 = arith.constant 0 : i32
      %dma_wait3A_83 = arith.constant 0 : i32
      %dma_wait3A_84 = tpu.memref_slice %arg16[%dma_wait3A_82, %dma_wait3A_83] : memref<5120x128xf32, #tpu.memory_space<vmem_shared>> -> memref<5120x128xf32, #tpu.memory_space<vmem_shared>>
      tpu.wait_indirect_dma semaphore(%run_scoped3A_72 : memref<!tpu.dma_semaphore, #tpu.memory_space<semaphore_mem>>) src(%arg12 : memref<128x128xf32, #tpu.memory_space<vmem>>) dst(%dma_wait3A_84 : memref<5120x128xf32, #tpu.memory_space<vmem_shared>>)
      tpu.yield
    }) : () -> ()
    %run_scoped3A_46 = arith.constant 78 : i32
    "tpu.region"() ({
      %run_scoped3A_72 = tpu.sem_alloc : memref<!tpu.dma_semaphore, #tpu.memory_space<semaphore_mem>>
      %dma_start3A_73 = arith.constant 0 : i32
      %dma_start3A_74 = tpu.memref_slice %arg11[%run_scoped3A_46, %dma_start3A_73] : memref<80x128xi32, #tpu.memory_space<vmem>> -> memref<1x128xi32, #tpu.memory_space<vmem>>
      %dma_start3A_75 = tpu.memref_squeeze %dma_start3A_74 : memref<1x128xi32, #tpu.memory_space<vmem>> -> memref<128xi32, #tpu.memory_space<vmem>>
      %dma_start3A_76 = arith.constant 0 : i32
      %dma_start3A_77 = tpu.memref_slice %arg17[%dma_start3A_76] : memref<5120xf32, #tpu.memory_space<vmem_shared>> -> memref<5120xf32, #tpu.memory_space<vmem_shared>>
      tpu.enqueue_indirect_dma source(%arg14 : memref<128xf32, #tpu.memory_space<vmem>>) target(%dma_start3A_77 : memref<5120xf32, #tpu.memory_space<vmem_shared>>) offsets(%dma_start3A_75 : memref<128xi32, #tpu.memory_space<vmem>>) semaphore(%run_scoped3A_72 : memref<!tpu.dma_semaphore, #tpu.memory_space<semaphore_mem>>) {add = true}
      %dma_wait3A_78 = arith.constant 0 : i32
      %dma_wait3A_79 = tpu.memref_slice %arg11[%run_scoped3A_46, %dma_wait3A_78] : memref<80x128xi32, #tpu.memory_space<vmem>> -> memref<1x128xi32, #tpu.memory_space<vmem>>
      %dma_wait3A_80 = tpu.memref_squeeze %dma_wait3A_79 : memref<1x128xi32, #tpu.memory_space<vmem>> -> memref<128xi32, #tpu.memory_space<vmem>>
      %dma_wait3A_81 = arith.constant 0 : i32
      %dma_wait3A_82 = tpu.memref_slice %arg17[%dma_wait3A_81] : memref<5120xf32, #tpu.memory_space<vmem_shared>> -> memref<5120xf32, #tpu.memory_space<vmem_shared>>
      tpu.wait_indirect_dma semaphore(%run_scoped3A_72 : memref<!tpu.dma_semaphore, #tpu.memory_space<semaphore_mem>>) src(%arg14 : memref<128xf32, #tpu.memory_space<vmem>>) dst(%dma_wait3A_82 : memref<5120xf32, #tpu.memory_space<vmem_shared>>)
      tpu.yield
    }) : () -> ()
    %dma_wait3A_47 = arith.constant 79 : i32
    %dma_wait3A_48 = arith.constant 0 : i32
    %dma_wait3A_49 = tpu.memref_slice %arg10[%dma_wait3A_47, %dma_wait3A_48] : memref<80x128xi32, #tpu.memory_space<vmem>> -> memref<1x128xi32, #tpu.memory_space<vmem>>
    %dma_wait3A_50 = tpu.memref_squeeze %dma_wait3A_49 : memref<1x128xi32, #tpu.memory_space<vmem>> -> memref<128xi32, #tpu.memory_space<vmem>>
    %dma_wait3A_51 = arith.constant 0 : i32
    %dma_wait3A_52 = arith.constant 0 : i32
    %dma_wait3A_53 = tpu.memref_slice %arg2[%dma_wait3A_51, %dma_wait3A_52] : memref<10000x128xf32, #tpu.memory_space<hbm>> -> memref<10000x128xf32, #tpu.memory_space<hbm>>
    tpu.wait_indirect_dma semaphore(%arg18 : memref<!tpu.dma_semaphore, #tpu.memory_space<semaphore_mem>>) src(%dma_wait3A_53 : memref<10000x128xf32, #tpu.memory_space<hbm>>) dst(%arg13 : memref<128x128xf32, #tpu.memory_space<vmem>>)
    %dma_wait3A_54 = arith.constant 79 : i32
    %dma_wait3A_55 = arith.constant 0 : i32
    %dma_wait3A_56 = tpu.memref_slice %arg10[%dma_wait3A_54, %dma_wait3A_55] : memref<80x128xi32, #tpu.memory_space<vmem>> -> memref<1x128xi32, #tpu.memory_space<vmem>>
    %dma_wait3A_57 = tpu.memref_squeeze %dma_wait3A_56 : memref<1x128xi32, #tpu.memory_space<vmem>> -> memref<128xi32, #tpu.memory_space<vmem>>
    %dma_wait3A_58 = arith.constant 0 : i32
    %dma_wait3A_59 = tpu.memref_slice %arg5[%dma_wait3A_58] : memref<10240xf32, #tpu.memory_space<hbm>> -> memref<10240xf32, #tpu.memory_space<hbm>>
    tpu.wait_indirect_dma semaphore(%arg19 : memref<!tpu.dma_semaphore, #tpu.memory_space<semaphore_mem>>) src(%dma_wait3A_59 : memref<10240xf32, #tpu.memory_space<hbm>>) dst(%arg15 : memref<128xf32, #tpu.memory_space<vmem>>)
    %run_scoped3A_60 = arith.constant 79 : i32
    "tpu.region"() ({
      %run_scoped3A_72 = tpu.sem_alloc : memref<!tpu.dma_semaphore, #tpu.memory_space<semaphore_mem>>
      %dma_start3A_73 = arith.constant 0 : i32
      %dma_start3A_74 = tpu.memref_slice %arg11[%run_scoped3A_60, %dma_start3A_73] : memref<80x128xi32, #tpu.memory_space<vmem>> -> memref<1x128xi32, #tpu.memory_space<vmem>>
      %dma_start3A_75 = tpu.memref_squeeze %dma_start3A_74 : memref<1x128xi32, #tpu.memory_space<vmem>> -> memref<128xi32, #tpu.memory_space<vmem>>
      %dma_start3A_76 = arith.constant 0 : i32
      %dma_start3A_77 = arith.constant 0 : i32
      %dma_start3A_78 = tpu.memref_slice %arg16[%dma_start3A_76, %dma_start3A_77] : memref<5120x128xf32, #tpu.memory_space<vmem_shared>> -> memref<5120x128xf32, #tpu.memory_space<vmem_shared>>
      tpu.enqueue_indirect_dma source(%arg13 : memref<128x128xf32, #tpu.memory_space<vmem>>) target(%dma_start3A_78 : memref<5120x128xf32, #tpu.memory_space<vmem_shared>>) offsets(%dma_start3A_75 : memref<128xi32, #tpu.memory_space<vmem>>) semaphore(%run_scoped3A_72 : memref<!tpu.dma_semaphore, #tpu.memory_space<semaphore_mem>>) {add = true}
      %dma_wait3A_79 = arith.constant 0 : i32
      %dma_wait3A_80 = tpu.memref_slice %arg11[%run_scoped3A_60, %dma_wait3A_79] : memref<80x128xi32, #tpu.memory_space<vmem>> -> memref<1x128xi32, #tpu.memory_space<vmem>>
      %dma_wait3A_81 = tpu.memref_squeeze %dma_wait3A_80 : memref<1x128xi32, #tpu.memory_space<vmem>> -> memref<128xi32, #tpu.memory_space<vmem>>
      %dma_wait3A_82 = arith.constant 0 : i32
      %dma_wait3A_83 = arith.constant 0 : i32
      %dma_wait3A_84 = tpu.memref_slice %arg16[%dma_wait3A_82, %dma_wait3A_83] : memref<5120x128xf32, #tpu.memory_space<vmem_shared>> -> memref<5120x128xf32, #tpu.memory_space<vmem_shared>>
      tpu.wait_indirect_dma semaphore(%run_scoped3A_72 : memref<!tpu.dma_semaphore, #tpu.memory_space<semaphore_mem>>) src(%arg13 : memref<128x128xf32, #tpu.memory_space<vmem>>) dst(%dma_wait3A_84 : memref<5120x128xf32, #tpu.memory_space<vmem_shared>>)
      tpu.yield
    }) : () -> ()
    %run_scoped3A_61 = arith.constant 79 : i32
    "tpu.region"() ({
      %run_scoped3A_72 = tpu.sem_alloc : memref<!tpu.dma_semaphore, #tpu.memory_space<semaphore_mem>>
      %dma_start3A_73 = arith.constant 0 : i32
      %dma_start3A_74 = tpu.memref_slice %arg11[%run_scoped3A_61, %dma_start3A_73] : memref<80x128xi32, #tpu.memory_space<vmem>> -> memref<1x128xi32, #tpu.memory_space<vmem>>
      %dma_start3A_75 = tpu.memref_squeeze %dma_start3A_74 : memref<1x128xi32, #tpu.memory_space<vmem>> -> memref<128xi32, #tpu.memory_space<vmem>>
      %dma_start3A_76 = arith.constant 0 : i32
      %dma_start3A_77 = tpu.memref_slice %arg17[%dma_start3A_76] : memref<5120xf32, #tpu.memory_space<vmem_shared>> -> memref<5120xf32, #tpu.memory_space<vmem_shared>>
      tpu.enqueue_indirect_dma source(%arg15 : memref<128xf32, #tpu.memory_space<vmem>>) target(%dma_start3A_77 : memref<5120xf32, #tpu.memory_space<vmem_shared>>) offsets(%dma_start3A_75 : memref<128xi32, #tpu.memory_space<vmem>>) semaphore(%run_scoped3A_72 : memref<!tpu.dma_semaphore, #tpu.memory_space<semaphore_mem>>) {add = true}
      %dma_wait3A_78 = arith.constant 0 : i32
      %dma_wait3A_79 = tpu.memref_slice %arg11[%run_scoped3A_61, %dma_wait3A_78] : memref<80x128xi32, #tpu.memory_space<vmem>> -> memref<1x128xi32, #tpu.memory_space<vmem>>
      %dma_wait3A_80 = tpu.memref_squeeze %dma_wait3A_79 : memref<1x128xi32, #tpu.memory_space<vmem>> -> memref<128xi32, #tpu.memory_space<vmem>>
      %dma_wait3A_81 = arith.constant 0 : i32
      %dma_wait3A_82 = tpu.memref_slice %arg17[%dma_wait3A_81] : memref<5120xf32, #tpu.memory_space<vmem_shared>> -> memref<5120xf32, #tpu.memory_space<vmem_shared>>
      tpu.wait_indirect_dma semaphore(%run_scoped3A_72 : memref<!tpu.dma_semaphore, #tpu.memory_space<semaphore_mem>>) src(%arg15 : memref<128xf32, #tpu.memory_space<vmem>>) dst(%dma_wait3A_82 : memref<5120xf32, #tpu.memory_space<vmem_shared>>)
      tpu.yield
    }) : () -> ()
    %barrier3A_62 = arith.constant 0 : index
    tpu.barrier barrier_id(%barrier3A_62)
    %mul3A_63 = arith.constant 320 : i32
    %mul3A_64 = arith.muli %arg1, %mul3A_63 : i32
    %mul3A_65 = arith.constant 320 : i32
    %mul3A_66 = arith.muli %arg1, %mul3A_65 : i32
    "tpu.region"() ({
      %run_scoped3A_72 = tpu.sem_alloc : memref<!tpu.dma_semaphore, #tpu.memory_space<semaphore_mem>>
      %dma_start3A_73 = arith.constant 0 : i32
      %dma_start3A_74 = tpu.memref_slice %arg8[%arg0, %mul3A_66, %dma_start3A_73] : memref<2x5120x128xf32, #tpu.memory_space<hbm>> -> memref<1x320x128xf32, #tpu.memory_space<hbm>>
      %dma_start3A_75 = tpu.memref_squeeze %dma_start3A_74 : memref<1x320x128xf32, #tpu.memory_space<hbm>> -> memref<320x128xf32, #tpu.memory_space<hbm>>
      %dma_start3A_76 = arith.constant 0 : i32
      %dma_start3A_77 = tpu.memref_slice %arg16[%mul3A_64, %dma_start3A_76] : memref<5120x128xf32, #tpu.memory_space<vmem_shared>> -> memref<320x128xf32, #tpu.memory_space<vmem_shared>>
      tpu.enqueue_dma source(%dma_start3A_77 : memref<320x128xf32, #tpu.memory_space<vmem_shared>>) target(%dma_start3A_75 : memref<320x128xf32, #tpu.memory_space<hbm>>) target_semaphore(%run_scoped3A_72 : memref<!tpu.dma_semaphore, #tpu.memory_space<semaphore_mem>>)
      %dma_wait3A_78 = arith.constant 0 : i32
      %dma_wait3A_79 = tpu.memref_slice %arg8[%arg0, %mul3A_66, %dma_wait3A_78] : memref<2x5120x128xf32, #tpu.memory_space<hbm>> -> memref<1x320x128xf32, #tpu.memory_space<hbm>>
      %dma_wait3A_80 = tpu.memref_squeeze %dma_wait3A_79 : memref<1x320x128xf32, #tpu.memory_space<hbm>> -> memref<320x128xf32, #tpu.memory_space<hbm>>
      %dma_wait3A_81 = arith.constant 0 : i32
      %dma_wait3A_82 = tpu.memref_slice %arg16[%mul3A_64, %dma_wait3A_81] : memref<5120x128xf32, #tpu.memory_space<vmem_shared>> -> memref<320x128xf32, #tpu.memory_space<vmem_shared>>
      tpu.wait_dma2 semaphore(%run_scoped3A_72 : memref<!tpu.dma_semaphore, #tpu.memory_space<semaphore_mem>>) src(%dma_wait3A_82 : memref<320x128xf32, #tpu.memory_space<vmem_shared>>) dst(%dma_wait3A_80 : memref<320x128xf32, #tpu.memory_space<hbm>>)
      tpu.yield
    }) : () -> ()
    %eq3A_67 = arith.constant 0 : i32
    %eq3A_68 = arith.cmpi eq, %arg1, %eq3A_67 : i32
    %convert_element_type3A_69 = arith.extui %eq3A_68 : i1 to i32
    %cond3A_70 = arith.constant 0 : i32
    %cond3A_71 = arith.cmpi ne, %convert_element_type3A_69, %cond3A_70 : i32
    scf.if %cond3A_71 {
      %mul3A_72 = arith.constant 5120 : i32
      %mul3A_73 = arith.muli %arg0, %mul3A_72 : i32
      "tpu.region"() ({
        %run_scoped3A_74 = tpu.sem_alloc : memref<!tpu.dma_semaphore, #tpu.memory_space<semaphore_mem>>
        %dma_start3A_75 = tpu.memref_slice %arg9[%mul3A_73] : memref<10240xf32, #tpu.memory_space<hbm>> -> memref<5120xf32, #tpu.memory_space<hbm>>
        tpu.enqueue_dma source(%arg17 : memref<5120xf32, #tpu.memory_space<vmem_shared>>) target(%dma_start3A_75 : memref<5120xf32, #tpu.memory_space<hbm>>) target_semaphore(%run_scoped3A_74 : memref<!tpu.dma_semaphore, #tpu.memory_space<semaphore_mem>>)
        %dma_wait3A_76 = tpu.memref_slice %arg9[%mul3A_73] : memref<10240xf32, #tpu.memory_space<hbm>> -> memref<5120xf32, #tpu.memory_space<hbm>>
        tpu.wait_dma2 semaphore(%run_scoped3A_74 : memref<!tpu.dma_semaphore, #tpu.memory_space<semaphore_mem>>) src(%arg17 : memref<5120xf32, #tpu.memory_space<vmem_shared>>) dst(%dma_wait3A_76 : memref<5120xf32, #tpu.memory_space<hbm>>)
        tpu.yield
      }) : () -> ()
    } else {
    }
    return
  }
}

module attributes {stable_mosaic.version = 14 : i64} {
  func.func @_matmul_body(%arg0: i32, %arg1: memref<1000x128xf32, #tpu.memory_space<vmem>>, %arg2: memref<128x128xf32, #tpu.memory_space<vmem>>, %arg3: memref<1x128xf32, #tpu.memory_space<vmem>>, %arg4: memref<1000x128xf32, #tpu.memory_space<vmem>>) attributes {dimension_semantics = [#tpu.dimension_semantics<arbitrary>], iteration_bounds = array<i64: 10>, scalar_prefetch = 0 : i64, scratch_operands = 0 : i64, tpu.core_type = #tpu.core_type<tc>, window_params = [{transform_indices = @transform_0, window_bounds = array<i64: 1000, 128>}, {pipeline_mode = #tpu.pipeline_mode<synchronous>, transform_indices = @transform_1, window_bounds = array<i64: 128, 128>}, {pipeline_mode = #tpu.pipeline_mode<synchronous>, transform_indices = @transform_2, window_bounds = array<i64: 1, 128>}, {transform_indices = @transform_3, window_bounds = array<i64: 1000, 128>}]} {
    %get3A = arith.constant 0 : index
    %get3A_0 = arith.constant 0 : index
    %get3A_1 = vector.load %arg1[%get3A, %get3A_0] : memref<1000x128xf32, #tpu.memory_space<vmem>>, vector<1000x128xf32>
    %get3A_2 = arith.constant 0 : index
    %get3A_3 = arith.constant 0 : index
    %get3A_4 = vector.load %arg2[%get3A_2, %get3A_3] : memref<128x128xf32, #tpu.memory_space<vmem>>, vector<128x128xf32>
    %dot_general3A = arith.constant dense<0.000000e+00> : vector<1000x128xf32>
    %dot_general3A_5 = tpu.matmul %get3A_1, %get3A_4, %dot_general3A {dimension_numbers = #tpu.dot_dimension_numbers<[1], [1], [0], [0], [0, 0, 1, 0], [], []>, transpose_lhs_hint = false} : vector<1000x128xf32>, vector<128x128xf32>, vector<1000x128xf32> -> vector<1000x128xf32>
    %get3A_6 = arith.constant 0 : index
    %get3A_7 = arith.constant 0 : index
    %get3A_8 = vector.load %arg3[%get3A_6, %get3A_7] : memref<1x128xf32, #tpu.memory_space<vmem>>, vector<1x128xf32>
    %add3A = vector.broadcast %get3A_8 : vector<1x128xf32> to vector<1000x128xf32>
    %add3A_9 = arith.addf %dot_general3A_5, %add3A : vector<1000x128xf32>
    %swap3A = arith.constant 0 : index
    %swap3A_10 = arith.constant 0 : index
    %swap3A_11 = vector.load %arg4[%swap3A, %swap3A_10] : memref<1000x128xf32, #tpu.memory_space<vmem>>, vector<1000x128xf32>
    tpu.vector_store %arg4[%swap3A, %swap3A_10], %add3A_9 {strides = array<i32>} : memref<1000x128xf32, #tpu.memory_space<vmem>>, vector<1000x128xf32>,
    return
  }
  func.func @transform_0(%arg0: i32) -> (i32, i32) {
    %c0_i32 = arith.constant 0 : i32
    %c0_i32_0 = arith.constant 0 : i32
    return %arg0, %c0_i32 : i32, i32
  }
  func.func @transform_1(%arg0: i32) -> (i32, i32) {
    %c0_i32 = arith.constant 0 : i32
    %c0_i32_0 = arith.constant 0 : i32
    %c0_i32_1 = arith.constant 0 : i32
    return %c0_i32, %c0_i32_0 : i32, i32
  }
  func.func @transform_2(%arg0: i32) -> (i32, i32) {
    %c0_i32 = arith.constant 0 : i32
    %c0_i32_0 = arith.constant 0 : i32
    %c0_i32_1 = arith.constant 0 : i32
    return %c0_i32, %c0_i32_0 : i32, i32
  }
  func.func @transform_3(%arg0: i32) -> (i32, i32) {
    %c0_i32 = arith.constant 0 : i32
    %c0_i32_0 = arith.constant 0 : i32
    return %arg0, %c0_i32 : i32, i32
  }
}

module attributes {stable_mosaic.version = 14 : i64} {
  func.func @_combine_body(%arg0: memref<80x128xf32, #tpu.memory_space<vmem>>, %arg1: memref<80x128xf32, #tpu.memory_space<vmem>>, %arg2: memref<40x128xf32, #tpu.memory_space<vmem>>, %arg3: memref<40x128xf32, #tpu.memory_space<vmem>>, %arg4: memref<80x128xf32, #tpu.memory_space<vmem>>, %arg5: memref<80x128xf32, #tpu.memory_space<vmem>>, %arg6: memref<40x128xf32, #tpu.memory_space<vmem>>) attributes {dimension_semantics = [], scalar_prefetch = 0 : i64, scratch_operands = 0 : i64, tpu.core_type = #tpu.core_type<tc>} {
    %get3A = arith.constant 0 : index
    %get3A_0 = arith.constant 0 : index
    %get3A_1 = vector.load %arg0[%get3A, %get3A_0] : memref<80x128xf32, #tpu.memory_space<vmem>>, vector<80x128xf32>
    %get3A_2 = arith.constant 0 : index
    %get3A_3 = arith.constant 0 : index
    %get3A_4 = vector.load %arg1[%get3A_2, %get3A_3] : memref<80x128xf32, #tpu.memory_space<vmem>>, vector<80x128xf32>
    %add3A = arith.addf %get3A_1, %get3A_4 : vector<80x128xf32>
    %swap3A = arith.constant 0 : index
    %swap3A_5 = arith.constant 0 : index
    %swap3A_6 = vector.load %arg4[%swap3A, %swap3A_5] : memref<80x128xf32, #tpu.memory_space<vmem>>, vector<80x128xf32>
    tpu.vector_store %arg4[%swap3A, %swap3A_5], %add3A {strides = array<i32>} : memref<80x128xf32, #tpu.memory_space<vmem>>, vector<80x128xf32>,
    %gt3A = arith.constant 0.000000e+00 : f32
    %gt3A_7 = vector.broadcast %gt3A : f32 to vector<80x128xf32>
    %gt3A_8 = arith.cmpf ogt, %add3A, %gt3A_7 : vector<80x128xf32>
    %max3A = arith.constant 9.99999996E-13 : f32
    %max3A_9 = vector.broadcast %max3A : f32 to vector<80x128xf32>
    %max3A_10 = arith.maximumf %add3A, %max3A_9 : vector<80x128xf32>
    %rsqrt3A = math.rsqrt %max3A_10 : vector<80x128xf32>
    %jit3A = arith.constant 0.000000e+00 : f32
    %broadcast_in_dim3A = vector.broadcast %jit3A : f32 to vector<80x128xf32>
    %select_n3A = arith.select %gt3A_8, %rsqrt3A, %broadcast_in_dim3A : vector<80x128xi1>, vector<80x128xf32>
    %swap3A_11 = arith.constant 0 : index
    %swap3A_12 = arith.constant 0 : index
    %swap3A_13 = vector.load %arg5[%swap3A_11, %swap3A_12] : memref<80x128xf32, #tpu.memory_space<vmem>>, vector<80x128xf32>
    tpu.vector_store %arg5[%swap3A_11, %swap3A_12], %select_n3A {strides = array<i32>} : memref<80x128xf32, #tpu.memory_space<vmem>>, vector<80x128xf32>,
    %get3A_14 = arith.constant 0 : index
    %get3A_15 = arith.constant 0 : index
    %get3A_16 = vector.load %arg2[%get3A_14, %get3A_15] : memref<40x128xf32, #tpu.memory_space<vmem>>, vector<40x128xf32>
    %get3A_17 = arith.constant 0 : index
    %get3A_18 = arith.constant 0 : index
    %get3A_19 = vector.load %arg3[%get3A_17, %get3A_18] : memref<40x128xf32, #tpu.memory_space<vmem>>, vector<40x128xf32>
    %add3A_20 = arith.addf %get3A_16, %get3A_19 : vector<40x128xf32>
    %swap3A_21 = arith.constant 0 : index
    %swap3A_22 = arith.constant 0 : index
    %swap3A_23 = vector.load %arg6[%swap3A_21, %swap3A_22] : memref<40x128xf32, #tpu.memory_space<vmem>>, vector<40x128xf32>
    tpu.vector_store %arg6[%swap3A_21, %swap3A_22], %add3A_20 {strides = array<i32>} : memref<40x128xf32, #tpu.memory_space<vmem>>, vector<40x128xf32>,
    return
  }
}

module attributes {stable_mosaic.version = 14 : i64} {
  func.func @_norm_body(%arg0: i32, %arg1: memref<640x128xf32, #tpu.memory_space<vmem>>, %arg2: memref<640x128xf32, #tpu.memory_space<vmem>>, %arg3: memref<640x1xf32, #tpu.memory_space<vmem>>, %arg4: memref<640x1xf32, #tpu.memory_space<vmem>>, %arg5: memref<640x1xf32, #tpu.memory_space<vmem>>, %arg6: memref<640x128xf32, #tpu.memory_space<vmem>>) attributes {dimension_semantics = [#tpu.dimension_semantics<arbitrary>], iteration_bounds = array<i64: 8>, scalar_prefetch = 0 : i64, scratch_operands = 0 : i64, tpu.core_type = #tpu.core_type<tc>, window_params = [{transform_indices = @transform_0, window_bounds = array<i64: 640, 128>}, {transform_indices = @transform_1, window_bounds = array<i64: 640, 128>}, {transform_indices = @transform_2, window_bounds = array<i64: 640, 1>}, {transform_indices = @transform_3, window_bounds = array<i64: 640, 1>}, {transform_indices = @transform_4, window_bounds = array<i64: 640, 1>}, {transform_indices = @transform_5, window_bounds = array<i64: 640, 128>}]} {
    %get3A = arith.constant 0 : index
    %get3A_0 = arith.constant 0 : index
    %get3A_1 = vector.load %arg5[%get3A, %get3A_0] : memref<640x1xf32, #tpu.memory_space<vmem>>, vector<640x1xf32>
    %get3A_2 = arith.constant 0 : index
    %get3A_3 = arith.constant 0 : index
    %get3A_4 = vector.load %arg1[%get3A_2, %get3A_3] : memref<640x128xf32, #tpu.memory_space<vmem>>, vector<640x128xf32>
    %get3A_5 = arith.constant 0 : index
    %get3A_6 = arith.constant 0 : index
    %get3A_7 = vector.load %arg2[%get3A_5, %get3A_6] : memref<640x128xf32, #tpu.memory_space<vmem>>, vector<640x128xf32>
    %add3A = arith.addf %get3A_4, %get3A_7 : vector<640x128xf32>
    %max3A = arith.constant 1.000000e+00 : f32
    %max3A_8 = vector.broadcast %max3A : f32 to vector<640x1xf32>
    %max3A_9 = arith.maximumf %get3A_1, %max3A_8 : vector<640x1xf32>
    %div3A = vector.broadcast %max3A_9 : vector<640x1xf32> to vector<640x128xf32>
    %div3A_10 = arith.divf %add3A, %div3A : vector<640x128xf32>
    %get3A_11 = arith.constant 0 : index
    %get3A_12 = arith.constant 0 : index
    %get3A_13 = vector.load %arg3[%get3A_11, %get3A_12] : memref<640x1xf32, #tpu.memory_space<vmem>>, vector<640x1xf32>
    %get3A_14 = arith.constant 0 : index
    %get3A_15 = arith.constant 0 : index
    %get3A_16 = vector.load %arg4[%get3A_14, %get3A_15] : memref<640x1xf32, #tpu.memory_space<vmem>>, vector<640x1xf32>
    %add3A_17 = arith.addf %get3A_13, %get3A_16 : vector<640x1xf32>
    %add3A_18 = arith.constant 1.000000e+00 : f32
    %add3A_19 = vector.broadcast %add3A_18 : f32 to vector<640x1xf32>
    %add3A_20 = arith.addf %get3A_1, %add3A_19 : vector<640x1xf32>
    %div3A_21 = arith.divf %add3A_17, %add3A_20 : vector<640x1xf32>
    %gt3A = arith.constant 0.000000e+00 : f32
    %gt3A_22 = vector.broadcast %gt3A : f32 to vector<640x1xf32>
    %gt3A_23 = arith.cmpf ogt, %get3A_1, %gt3A_22 : vector<640x1xf32>
    %max3A_24 = arith.constant 9.99999996E-13 : f32
    %max3A_25 = vector.broadcast %max3A_24 : f32 to vector<640x1xf32>
    %max3A_26 = arith.maximumf %div3A_21, %max3A_25 : vector<640x1xf32>
    %rsqrt3A = math.rsqrt %max3A_26 : vector<640x1xf32>
    %jit3A = arith.constant 1.000000e+00 : f32
    %broadcast_in_dim3A = vector.broadcast %jit3A : f32 to vector<640x1xf32>
    %select_n3A = arith.select %gt3A_23, %rsqrt3A, %broadcast_in_dim3A : vector<640x1xi1>, vector<640x1xf32>
    %mul3A = vector.broadcast %select_n3A : vector<640x1xf32> to vector<640x128xf32>
    %mul3A_27 = arith.mulf %div3A_10, %mul3A : vector<640x128xf32>
    %swap3A = arith.constant 0 : index
    %swap3A_28 = arith.constant 0 : index
    %swap3A_29 = vector.load %arg6[%swap3A, %swap3A_28] : memref<640x128xf32, #tpu.memory_space<vmem>>, vector<640x128xf32>
    tpu.vector_store %arg6[%swap3A, %swap3A_28], %mul3A_27 {strides = array<i32>} : memref<640x128xf32, #tpu.memory_space<vmem>>, vector<640x128xf32>,
    return
  }
  func.func @transform_0(%arg0: i32) -> (i32, i32) {
    %jit3A = arith.constant 8 : i32
    %eq3A = arith.constant 0 : i32
    %eq3A_0 = arith.cmpi eq, %jit3A, %eq3A : i32
    %jit3A_1 = arith.constant 1 : i32
    %select_n3A = arith.select %eq3A_0, %jit3A_1, %jit3A : i32
    %rem3A = arith.remsi %arg0, %select_n3A : i32
    %ne3A = arith.constant 0 : i32
    %ne3A_2 = arith.cmpi ne, %rem3A, %ne3A : i32
    %lt3A = arith.constant 0 : i32
    %lt3A_3 = arith.cmpi slt, %rem3A, %lt3A : i32
    %lt3A_4 = arith.constant 0 : i32
    %lt3A_5 = arith.cmpi slt, %select_n3A, %lt3A_4 : i32
    %ne3A_6 = arith.xori %lt3A_3, %lt3A_5 : i1
    %and3A = arith.andi %ne3A_6, %ne3A_2 : i1
    %add3A = arith.addi %rem3A, %select_n3A : i32
    %select_n3A_7 = arith.select %and3A, %add3A, %rem3A : i32
    %c0_i32 = arith.constant 0 : i32
    %c0_i32_8 = arith.constant 0 : i32
    return %select_n3A_7, %c0_i32 : i32, i32
  }
  func.func @transform_1(%arg0: i32) -> (i32, i32) {
    %jit3A = arith.constant 8 : i32
    %eq3A = arith.constant 0 : i32
    %eq3A_0 = arith.cmpi eq, %jit3A, %eq3A : i32
    %jit3A_1 = arith.constant 1 : i32
    %select_n3A = arith.select %eq3A_0, %jit3A_1, %jit3A : i32
    %rem3A = arith.remsi %arg0, %select_n3A : i32
    %ne3A = arith.constant 0 : i32
    %ne3A_2 = arith.cmpi ne, %rem3A, %ne3A : i32
    %lt3A = arith.constant 0 : i32
    %lt3A_3 = arith.cmpi slt, %rem3A, %lt3A : i32
    %lt3A_4 = arith.constant 0 : i32
    %lt3A_5 = arith.cmpi slt, %select_n3A, %lt3A_4 : i32
    %ne3A_6 = arith.xori %lt3A_3, %lt3A_5 : i1
    %and3A = arith.andi %ne3A_6, %ne3A_2 : i1
    %add3A = arith.addi %rem3A, %select_n3A : i32
    %select_n3A_7 = arith.select %and3A, %add3A, %rem3A : i32
    %c0_i32 = arith.constant 0 : i32
    %c0_i32_8 = arith.constant 0 : i32
    return %select_n3A_7, %c0_i32 : i32, i32
  }
  func.func @transform_2(%arg0: i32) -> (i32, i32) {
    %jit3A = arith.constant 8 : i32
    %eq3A = arith.constant 0 : i32
    %eq3A_0 = arith.cmpi eq, %jit3A, %eq3A : i32
    %jit3A_1 = arith.constant 1 : i32
    %select_n3A = arith.select %eq3A_0, %jit3A_1, %jit3A : i32
    %rem3A = arith.remsi %arg0, %select_n3A : i32
    %ne3A = arith.constant 0 : i32
    %ne3A_2 = arith.cmpi ne, %rem3A, %ne3A : i32
    %lt3A = arith.constant 0 : i32
    %lt3A_3 = arith.cmpi slt, %rem3A, %lt3A : i32
    %lt3A_4 = arith.constant 0 : i32
    %lt3A_5 = arith.cmpi slt, %select_n3A, %lt3A_4 : i32
    %ne3A_6 = arith.xori %lt3A_3, %lt3A_5 : i1
    %and3A = arith.andi %ne3A_6, %ne3A_2 : i1
    %add3A = arith.addi %rem3A, %select_n3A : i32
    %select_n3A_7 = arith.select %and3A, %add3A, %rem3A : i32
    %c0_i32 = arith.constant 0 : i32
    %c0_i32_8 = arith.constant 0 : i32
    return %select_n3A_7, %c0_i32 : i32, i32
  }
  func.func @transform_3(%arg0: i32) -> (i32, i32) {
    %jit3A = arith.constant 8 : i32
    %eq3A = arith.constant 0 : i32
    %eq3A_0 = arith.cmpi eq, %jit3A, %eq3A : i32
    %jit3A_1 = arith.constant 1 : i32
    %select_n3A = arith.select %eq3A_0, %jit3A_1, %jit3A : i32
    %rem3A = arith.remsi %arg0, %select_n3A : i32
    %ne3A = arith.constant 0 : i32
    %ne3A_2 = arith.cmpi ne, %rem3A, %ne3A : i32
    %lt3A = arith.constant 0 : i32
    %lt3A_3 = arith.cmpi slt, %rem3A, %lt3A : i32
    %lt3A_4 = arith.constant 0 : i32
    %lt3A_5 = arith.cmpi slt, %select_n3A, %lt3A_4 : i32
    %ne3A_6 = arith.xori %lt3A_3, %lt3A_5 : i1
    %and3A = arith.andi %ne3A_6, %ne3A_2 : i1
    %add3A = arith.addi %rem3A, %select_n3A : i32
    %select_n3A_7 = arith.select %and3A, %add3A, %rem3A : i32
    %c0_i32 = arith.constant 0 : i32
    %c0_i32_8 = arith.constant 0 : i32
    return %select_n3A_7, %c0_i32 : i32, i32
  }
  func.func @transform_4(%arg0: i32) -> (i32, i32) {
    %jit3A = arith.constant 8 : i32
    %eq3A = arith.constant 0 : i32
    %eq3A_0 = arith.cmpi eq, %jit3A, %eq3A : i32
    %jit3A_1 = arith.constant 1 : i32
    %select_n3A = arith.select %eq3A_0, %jit3A_1, %jit3A : i32
    %rem3A = arith.remsi %arg0, %select_n3A : i32
    %ne3A = arith.constant 0 : i32
    %ne3A_2 = arith.cmpi ne, %rem3A, %ne3A : i32
    %lt3A = arith.constant 0 : i32
    %lt3A_3 = arith.cmpi slt, %rem3A, %lt3A : i32
    %lt3A_4 = arith.constant 0 : i32
    %lt3A_5 = arith.cmpi slt, %select_n3A, %lt3A_4 : i32
    %ne3A_6 = arith.xori %lt3A_3, %lt3A_5 : i1
    %and3A = arith.andi %ne3A_6, %ne3A_2 : i1
    %add3A = arith.addi %rem3A, %select_n3A : i32
    %select_n3A_7 = arith.select %and3A, %add3A, %rem3A : i32
    %c0_i32 = arith.constant 0 : i32
    %c0_i32_8 = arith.constant 0 : i32
    return %select_n3A_7, %c0_i32 : i32, i32
  }
  func.func @transform_5(%arg0: i32) -> (i32, i32) {
    %c0_i32 = arith.constant 0 : i32
    %c0_i32_0 = arith.constant 0 : i32
    return %arg0, %c0_i32 : i32, i32
  }
}

module attributes {stable_mosaic.version = 14 : i64} {
  func.func @_final_body(%arg0: i32, %arg1: memref<1000x128xf32, #tpu.memory_space<vmem>>, %arg2: memref<1000x128xf32, #tpu.memory_space<vmem>>, %arg3: memref<1000x1xf32, #tpu.memory_space<vmem>>, %arg4: memref<1000x128xf32, #tpu.memory_space<vmem>>) attributes {dimension_semantics = [#tpu.dimension_semantics<arbitrary>], iteration_bounds = array<i64: 10>, scalar_prefetch = 0 : i64, scratch_operands = 0 : i64, tpu.core_type = #tpu.core_type<tc>, window_params = [{transform_indices = @transform_0, window_bounds = array<i64: 1000, 128>}, {transform_indices = @transform_1, window_bounds = array<i64: 1000, 128>}, {transform_indices = @transform_2, window_bounds = array<i64: 1000, 1>}, {transform_indices = @transform_3, window_bounds = array<i64: 1000, 128>}]} {
    %get3A = arith.constant 0 : index
    %get3A_0 = arith.constant 0 : index
    %get3A_1 = vector.load %arg3[%get3A, %get3A_0] : memref<1000x1xf32, #tpu.memory_space<vmem>>, vector<1000x1xf32>
    %get3A_2 = arith.constant 0 : index
    %get3A_3 = arith.constant 0 : index
    %get3A_4 = vector.load %arg1[%get3A_2, %get3A_3] : memref<1000x128xf32, #tpu.memory_space<vmem>>, vector<1000x128xf32>
    %get3A_5 = arith.constant 0 : index
    %get3A_6 = arith.constant 0 : index
    %get3A_7 = vector.load %arg2[%get3A_5, %get3A_6] : memref<1000x128xf32, #tpu.memory_space<vmem>>, vector<1000x128xf32>
    %add3A = arith.addf %get3A_4, %get3A_7 : vector<1000x128xf32>
    %mul3A = vector.broadcast %get3A_1 : vector<1000x1xf32> to vector<1000x128xf32>
    %mul3A_8 = arith.mulf %mul3A, %add3A : vector<1000x128xf32>
    %max3A = arith.constant 0.000000e+00 : f32
    %max3A_9 = vector.broadcast %max3A : f32 to vector<1000x128xf32>
    %max3A_10 = arith.maximumf %mul3A_8, %max3A_9 : vector<1000x128xf32>
    %swap3A = arith.constant 0 : index
    %swap3A_11 = arith.constant 0 : index
    %swap3A_12 = vector.load %arg4[%swap3A, %swap3A_11] : memref<1000x128xf32, #tpu.memory_space<vmem>>, vector<1000x128xf32>
    tpu.vector_store %arg4[%swap3A, %swap3A_11], %max3A_10 {strides = array<i32>} : memref<1000x128xf32, #tpu.memory_space<vmem>>, vector<1000x128xf32>,
    return
  }
  func.func @transform_0(%arg0: i32) -> (i32, i32) {
    %c0_i32 = arith.constant 0 : i32
    %c0_i32_0 = arith.constant 0 : i32
    return %arg0, %c0_i32 : i32, i32
  }
  func.func @transform_1(%arg0: i32) -> (i32, i32) {
    %c0_i32 = arith.constant 0 : i32
    %c0_i32_0 = arith.constant 0 : i32
    return %arg0, %c0_i32 : i32, i32
  }
  func.func @transform_2(%arg0: i32) -> (i32, i32) {
    %c0_i32 = arith.constant 0 : i32
    %c0_i32_0 = arith.constant 0 : i32
    return %arg0, %c0_i32 : i32, i32
  }
  func.func @transform_3(%arg0: i32) -> (i32, i32) {
    %c0_i32 = arith.constant 0 : i32
    %c0_i32_0 = arith.constant 0 : i32
    return %arg0, %c0_i32 : i32, i32
  }
}

</mosaic_0001>

<sc_bundles>
// kernel: kernel.12.cloned.1.call-start
scs
__scs_entry_jumppad:
0x0: {  	(pc) =	sbr.rel $0x88, $3  }
0x1: {  	(tag) =	ssettag $0x0;
	lr =	simm.s32 $0x1  }
0x2: {  	[smem:$0x3F9C] =	sst lr;
	_ =	strace $0xD0000000  }
0x3: {  	_ = 	snop  }
0x4: {  	_ = 	snop  }
0x5: {  	_ = 	snop  }
0x6: {  	_ = 	snop  }
0x7: {  	_ = 	snop  }
__scs_overlays_trampoline_lowered:
0x8: {  	[smem:$0x3FAB] =	sst s0  }
0x9: {  	[smem:$0x3FAC] =	sst s1  }
0xa: {  	[smem:$0x3FAD] =	sst s2  }
0xb: {  	[smem:$0x3FAE] =	sst s3  }
0xc: {  	[smem:$0x3FAF] =	sst s4  }
0xd: {  	[smem:$0x3FB0] =	sst s5  }
0xe: {  	[smem:$0x3FB1] =	sst s6  }
0xf: {  	[smem:$0x3FB2] =	sst s7  }
0x10: {  	[smem:$0x3FB3] =	sst s8  }
0x11: {  	[smem:$0x3FB4] =	sst s9;
	s0 =	simm.s32 @!p0 $0x0  }
0x12: {  	s1 =	sld [smem:$0x3F9A];
	s0 =	simm.s32 @p0 $0x1  }
0x13: {  	[smem:$0x3FB5] =	sst s0;
	s0 =	simm.s32 @!p1 $0x0  }
0x14: {  	s2 =	sld [smem:$0x3F99];
	s0 =	simm.s32 @p1 $0x1  }
0x15: {  	[smem:$0x3FB6] =	sst s0;
	s0 =	simm.s32 @!p2 $0x0  }
0x16: {  	s3 =	sld [smem:$0x3FDB];
	s0 =	simm.s32 @p2 $0x1  }
0x17: {  	s4 =	simm.s32 $0x1BF5;
	[smem:$0x3FB8] =	sst s0  }
0x18: {  	s0 =	sld [smem:$0x3F9B];
	_ =	swait.ge [sflag:s4], $0x0  }
0x19: {  	s7 =	sld [smem:$0x3F9C]  }
0x1a: {  	s8 =	sadd.s32 $0xFFFFE003, lr  }
0x1b: {  	s9 =	sadd.s32 $0xFFFFFEF7, lr;
	s5 =	simm.s32 $0xFFFFFFFF;
	p2 =	slt.u32 s8, $0xFFFFF086  }
0x1c: {  	p1 =	slt.u32 s9, $0xF7A;
	s5 =	simm.s32 @!p2 $0x0  }
0x1d: {  	s5 =	simm.s32 @p1 $0x1;
	p0 =	seq.s32 s7, s2  }
0x1e: {  	s7 =	smul.u32 @!p0 $0xF7A, s2;
	p2 =	seq.s32 @!p0 s5, $0x0  }
0x1f: {  	s9 =	smul.u32 $0xF7A, s1;
	s8 =	simm.s32 @!p0 $0x1BF5;
	p2 =	por !p2, p0  }
0x20: {  	[sflag:s8] =	ssyncset.s32 @!p0 $0xFFFFF086;
	s6 =	sadd.s32 @!p0 s3, s7;
	s7 =	simm.s32 @!p0 $0x108  }
0x21: {  	s3 =	sadd.s32 s3, s9;
	s6 =	sadd.s32 @!p0 $0x88, s6;
	s7 =	simm.s32 @p2 $0x1082  }
0x22: {  	[simem:s7], [sflag:s8] =	dma.local @!p0 [hbm:s6], $0xF7A  }
0x23: {  	s9 =	sor.u32 $0xD0000000, s2;
	s6 =	simm.s32 $0x108;
	_ =	swait.ge @!p0 [sflag:s8], $0x0  }
0x24: {  	s3 =	sadd.s32 $0x88, s3;
	s6 =	simm.s32 @!p1 $0x1082;
	[sflag:s4] =	ssyncset.s32 $0xFFFFF086  }
0x25: {  	[simem:s6], [sflag:s4] =	dma.local [hbm:s3], $0xF7A  }
0x26: {  	[smem:$0x3F9C] =	sst s1;
	(tag) =	ssettag s2;
	_ =	strace s9  }
0x27: {  	s1 =	sld [smem:$0x3FAC]  }
0x28: {  	s2 =	sld [smem:$0x3FAD]  }
0x29: {  	s4 =	sld [smem:$0x3FAF]  }
0x2a: {  	p0 =	seq.s32 s5, $0x0;
	s5 =	sld [smem:$0x3FB0]  }
0x2b: {  	s6 =	sld [smem:$0x3FB1]  }
0x2c: {  	s7 =	sld [smem:$0x3FB2]  }
0x2d: {  	s3 =	simm.s32 $0x108;
	s8 =	sld [smem:$0x3FB3]  }
0x2e: {  	s3 =	simm.s32 @!p0 $0x1082;
	s9 =	sld [smem:$0x3FB4]  }
0x2f: {  	lr =	sadd.s32 s0, s3;
	s0 =	sld [smem:$0x3FAB]  }
0x30: {  	s3 =	sld [smem:$0x3FAE]  }
0x31: {  	[smem:$0x3FB7] =	sst s10  }
0x32: {  	s10 =	sld [smem:$0x3FB5];
	_ =	sdelay $0x3  }
0x33: {  	p0 =	seq.s32 s10, $0x1;
	s10 =	sld [smem:$0x3FB7];
	_ =	sdelay $0x3  }
0x34: {  	[smem:$0x3FB7] =	sst s10  }
0x35: {  	s10 =	sld [smem:$0x3FB6];
	_ =	sdelay $0x3  }
0x36: {  	p1 =	seq.s32 s10, $0x1;
	s10 =	sld [smem:$0x3FB7];
	_ =	sdelay $0x3  }
0x37: {  	[smem:$0x3FB7] =	sst s10  }
0x38: {  	s10 =	sld [smem:$0x3FB8]  }
0x39: {  	_ = 	snop;
	(pc) =	sbr.ind lr, $3  }
0x3a: {  	_ = 	snop  }
0x3b: {  	_ = 	snop  }
0x3c: {  	p2 =	seq.s32 s10, $0x1;
	s10 =	sld [smem:$0x3FB7]  }
0x3d: {  	_ =	shalt  }
0x3e: {  	_ =	shalt  }
0x3f: {  	_ =	shalt  }
0x40: {  	_ =	shalt  }
0x41: {  	_ =	shalt  }
0x42: {  	_ =	shalt  }
0x43: {  	_ =	shalt  }
0x44: {  	_ =	shalt  }
0x45: {  	_ =	shalt  }
0x46: {  	_ =	shalt  }
0x47: {  	_ =	shalt  }
0x48: {  	_ =	shalt  }
0x49: {  	_ =	shalt  }
0x4a: {  	_ =	shalt  }
0x4b: {  	_ =	shalt  }
0x4c: {  	_ =	shalt  }
0x4d: {  	_ =	shalt  }
0x4e: {  	_ =	shalt  }
0x4f: {  	_ =	shalt  }
0x50: {  	_ =	shalt  }
0x51: {  	_ =	shalt  }
0x52: {  	_ =	shalt  }
0x53: {  	_ =	shalt  }
0x54: {  	_ =	shalt  }
0x55: {  	_ =	shalt  }
0x56: {  	_ =	shalt  }
0x57: {  	_ =	shalt  }
0x58: {  	_ =	shalt  }
0x59: {  	_ =	shalt  }
0x5a: {  	_ =	shalt  }
0x5b: {  	_ =	shalt  }
0x5c: {  	_ =	shalt  }
0x5d: {  	_ =	shalt  }
0x5e: {  	_ =	shalt  }
0x5f: {  	_ =	shalt  }
0x60: {  	_ =	shalt  }
0x61: {  	_ =	shalt  }
0x62: {  	_ =	shalt  }
0x63: {  	_ =	shalt  }
0x64: {  	_ =	shalt  }
0x65: {  	_ =	shalt  }
0x66: {  	_ =	shalt  }
0x67: {  	_ =	shalt  }
0x68: {  	_ =	shalt  }
0x69: {  	_ =	shalt  }
0x6a: {  	_ =	shalt  }
0x6b: {  	_ =	shalt  }
0x6c: {  	_ =	shalt  }
0x6d: {  	_ =	shalt  }
0x6e: {  	_ =	shalt  }
0x6f: {  	_ =	shalt  }
0x70: {  	_ =	shalt  }
0x71: {  	_ =	shalt  }
0x72: {  	_ =	shalt  }
0x73: {  	_ =	shalt  }
0x74: {  	_ =	shalt  }
0x75: {  	_ =	shalt  }
0x76: {  	_ =	shalt  }
0x77: {  	_ =	shalt  }
0x78: {  	_ =	shalt  }
0x79: {  	_ =	shalt  }
0x7a: {  	_ =	shalt  }
0x7b: {  	_ =	shalt  }
0x7c: {  	_ =	shalt  }
0x7d: {  	_ =	shalt  }
0x7e: {  	_ =	shalt  }
0x7f: {  	_ =	shalt  }
0x80: {  	_ =	shalt  }
0x81: {  	_ =	shalt  }
0x82: {  	_ =	shalt  }
0x83: {  	_ =	shalt  }
0x84: {  	_ =	shalt  }
0x85: {  	_ =	shalt  }
0x86: {  	_ =	shalt  }
0x87: {  	_ =	shalt  }
.Lfunc_end0:
.L_simem_size_0:
called_computation.1_lowered:
.L_overlay_start_0:
0x88: {  	s2 =	sld [smem:$0x3FD9]  }
0x89: {  	s3 =	sld [smem:$0x3FFE];
	_ =	sdelay $0x1  }
0x8a: {  	s1 =	srdreg.scid  }
0x8b: {  	s0 =	sand.u32 $0x1, s1  }
0x8c: {  	s17 =	sshll.u32 s0, $0xA;
	s2 =	sadd.s32 s3, s2  }
0x8d: {  	s2 =	sadd.s32 s2, s17  }
0x8e: {  	[smem:$0x3FC3] =	sst s2  }
0x8f: {  	_ = 	snop  }
0x90: {  	s2 =	sld [smem:$0x3FD0];
	(tm) =	ssettm $0x1  }
0x91: {  	s18 =	sld [smem:$0x3FFB];
	_ =	sdelay $0x3  }
0x92: {  	_ =	strace s18  }
0x93: {  	s3 =	sld [smem:$0x3FFC];
	_ =	sdelay $0x3  }
0x94: {  	_ =	strace s3  }
0x95: {  	s3 =	sld [smem:$0x3FFD];
	_ =	sdelay $0x3  }
0x96: {  	_ =	strace s3  }
0x97: {  	_ =	strace $0x8FFFFFFF  }
0x98: {  	s19 =	sld [smem:$0x3FDB];
	_ =	sdelay $0x1  }
0x99: {  	s4 =	simm.s32 $_scs_section_size  }
0x9a: {  	s5 =	simm.s32 $_size__tile_overlayer_lowered;
	s6 =	simm.s32 $_tile_overlayer_lowered  }
0x9b: {  	s22 =	simm.s32 $0x1BFF;
	s21 =	sshll.u32 s6, $0x1;
	s3 =	sadd.s32 s4, s19  }
0x9c: {  	s7 =	simm.s32 $0x0;
	s20 =	sshll.u32 s5, $0x1;
	s5 =	sadd.s32 s21, s3  }
0x9d: {  	[timem:s7], [sflag:s22] =	dma.local [hbm:s5], s20  }
0x9e: {  	_ =	swait.ge [sflag:s22], s20  }
0x9f: {  	s4 =	ssub.s32 $0x0, s20;
	[sflag:s22] =	ssyncset.done $0x0  }
0xa0: {  	[sflag:s22] =	ssyncadd.s32 s4;
	_ =	sdelay $0x1  }
0xa1: {  	s23 =	simm.s32 $0x1B8B  }
0xa2: {  	_ =	swait.ge [sflag:s23], $0x1  }
0xa3: {  	[sflag:s23] =	ssyncset.done $0x0  }
0xa4: {  	s25 =	simm.s32 $0x1B8E;
	s24 =	sld [smem:$0x3FFE];
	[sflag:s23] =	ssyncadd.s32 $0xFFFFFFFF  }
0xa5: {  	s26 =	simm.s32 $execute0_lowered;
	[smem:$0x3FD2] =	sst s25  }
0xa6: {  	s5 =	sshll.u32 s26, $0x1;
	_ =	strace $0x80000049;
	[dreg:$0x1] =	wrdreg $0xFFFFFFFF  }
0xa7: {  	s28 =	simm.s32 $_size_execute0_lowered;
	s3 =	sadd.s32 s3, s5;
	[dreg:$0x0] =	wrdreg $0x0  }
0xa8: {  	s5 =	sshll.u32 s28, $0x1;
	[dreg:$0x2] =	wrdreg s3  }
0xa9: {  	[dreg:$0x3] =	wrdreg s5  }
0xaa: {  	[dreg:$0x4] =	wrdreg $0xC0  }
0xab: {  	_ =	task [dreg:s7], $0x5FFFF  }
0xac: {  	[dreg:$0x1] =	wrdreg $0xFFFFFFFF  }
0xad: {  	[dreg:$0x0] =	wrdreg $0x60  }
0xae: {  	[dreg:$0x2] =	wrdreg s2  }
0xaf: {  	[dreg:$0x3] =	wrdreg s24  }
0xb0: {  	[dreg:$0x4] =	wrdreg $0xD1000  }
0xb1: {  	[dreg:$0x5] =	wrdreg $0x171000  }
0xb2: {  	[dreg:$0x6] =	wrdreg $0x9  }
0xb3: {  	_ =	task.clear_ibuf [dreg:s7], $0x7FFFF;
	_ =	strace $0x90000049  }
0xb4: {  	s29 =	simm.s32 $0x9;
	_ =	strace $0x8000004B  }
0xb5: {  	_ =	swait.ge [sflag:s29], $0x1  }
0xb6: {  	[sflag:s29] =	ssyncadd.s32 $0xFFFFFFFF  }
0xb7: {  	_ =	strace $0x9000004B  }
0xb8: {  	_ =	sfence  }
0xb9: {  	s30 =	sld [smem:$0x0];
	_ =	sdelay $0x2  }
0xba: {  	s31 =	sshll.u32 s1, $0xD;
	s1 =	sshrl.u32 s1, $0x2  }
0xbb: {  	s3 =	sand.u32 $0x4000, s31;
	s1 =	sadd.s32 s1, s30  }
0xbc: {  	s0 =	sor.u32 s3, s0;
	s1 =	sshll.u32 s1, $0x11  }
0xbd: {  	s0 =	sor.u32 s1, s0  }
0xbe: {  	s0 =	sadd.s32 $0x8F2B, s0  }
0xbf: {  	[sflag:s0] =	ssyncadd.remote.s32 $0x1  }
0xc0: {  	_ =	sfence.sel $0xFFFF  }
0xc1: {  	[dreg:$0x0] =	wrdreg $0xFFFFFFFF;
	(pc) =	sbr.abs _section_cstart, $3  }
0xc2: {  	[dreg:$0x1] =	wrdreg $0xFFFFFFFF  }
0xc3: {  	_ =	task.clear_ibuf [dreg:s7], $0x2FFFF;
	_ =	strace $0x9FFFFFFF  }
0xc4: {  	(tm) =	ssettm $0x7FFFFFFF  }
0xc5: {  	_ =	shalt  }
tec
execute0_lowered:
.L_overlay_start_1:
0x0: {  	(tag) =	ssettag $0x1  }
0x1: {  	s0 =	rddreg [dreg:$0x0]  }
0x2: {  	s1 =	srdreg.scid;
	s9 =	rddreg [dreg:$0x1]  }
0x3: {  	s14 =	stileid.u32;
	s2 =	rddreg [dreg:$0x2]  }
0x4: {  	s3 =	rddreg [dreg:$0x3];
	s4 =	simm.s32 $0x0;
	s18 =	simm.s32 $0x80  }
0x5: {  	s19 =	simm.s32 $0x5000;
	s20 =	simm.s32 $0xD000;
	s21 =	simm.s32 $0x1  }
0x6: {  	s22 =	simm.s32 $0x2;
	s23 =	simm.s32 $0x9000;
	s24 =	simm.s32 $0xD080  }
0x7: {  	s25 =	simm.s32 $0x2780;
	s28 =	simm.s32 $0x4F80;
	s29 =	simm.s32 $0x0  }
0x8: {  	s8 =	sand.u32 $0x1, s1;
	[smem:$0x7FF] =	sst s4;
	s10 =	smul.u32 $0xA000, s14  }
0x9: {  	s6 =	sadd.s32 $0x3400, s9;
	s13 =	smul.u32 $0x28000, s14;
	s31 =	sshll.u32 s14, $0x6  }
0xa: {  	p0 =	sne.s32 s14, $0x0;
	s1 =	sshll.u32 s8, $0x4;
	s7 =	smul.u32 $0xA0000, s8  }
0xb: {  	_ =	strace $0x8000004A;
	s12 =	smul.u32 $0x280, s8;
	s8 =	ssub.s32 $0x2, s8  }
0xc: {  	s1 =	sor.u32 s14, s1;
	s26 =	sshrl.u32 s8, $0x1;
	s30 =	sshrl.u32 s13, $0x2  }
0xd: {  	s5 =	smul.u32 $0x500, s1;
	s10 =	sadd.s32 s10, s7;
	s7 =	sadd.s32 $0x17400, s9  }
0xe: {  	s12 =	sadd.s32 s12, s9;
	s16 =	ssub.s32 s8, s26;
	s17 =	sadd.s32 s30, s2  }
0xf: {  	s8 =	sor.u32 $0x1C03, s31;
	s26 =	simm.s32 $0x4F00;
	s10 =	sshrl.u32 s10, $0x3  }
0x10: {  	s12 =	sadd.s32 $0x17E00, s12;
	s13 =	smax.u32 s16, $0x1;
	s14 =	sshrl.u32 s17, $0x3  }
0x11: {  	s16 =	sshrl.u32 @!p0 s3, $0x3;
	s17 =	simm.s32 $0x2800;
	s11 =	sadd.s32 s5, s9  }
0x12: {  	s5 =	sadd.s32 $0x17800, s9;
	s15 =	sadd.s32 s10, s9;
	s9 =	sadd.s32 $0x22A00, s11  }
0x13: {  	s10 =	sadd.s32 $0x18A00, s11;
	s11 =	sadd.s32 $0x2CA00, s15;
	s15 =	simm.s32 $0x3  }
.LBB2_1:
0x14: {  	[spmem:s14], [sflag:s8] =	dma.local [hbm:s6], $0x1400  }
0x15: {  	_ =	swait.ge [sflag:s15], $0x1400  }
0x16: {  	[sflag:s15] =	ssyncset.done $0x0  }
0x17: {  	s30 =	simm.s32 @!p0 $0x3;
	[sflag:s15] =	ssyncadd.s32 $0xFFFFEC00  }
0x18: {  	[spmem:s16], [sflag:s8] =	dma.local @!p0 [hbm:s7], $0x280  }
0x19: {  	_ =	swait.ge @!p0 [sflag:s30], $0x280  }
0x1a: {  	[sflag:s30] =	ssyncset.done @!p0 $0x0  }
0x1b: {  	[sflag:s30] =	ssyncadd.s32 @!p0 $0xFFFFFD80  }
0x1c: {  	[tilespmem:s4], [sflag:$0x3] =	stream.linear.gather [hbm4b:s9+s4], $0x2800, $0x38;
	[tilespmem:$0x17240] =	vst v63  }
0x1d: {  	_ =	swait.ge [sflag:s15], $0x2800  }
0x1e: {  	[sflag:s15] =	ssyncset.done $0x0  }
0x1f: {  	[sflag:s15] =	ssyncadd.s32 $0xFFFFD800  }
0x20: {  	[tilespmem:s17], [sflag:$0x3] =	stream.linear.gather [hbm4b:s10+s4], $0x2800, $0x38;
	[tilespmem:$0x17240] =	vst v63  }
0x21: {  	_ =	swait.ge [sflag:s15], $0x2800  }
0x22: {  	[sflag:s15] =	ssyncset.done $0x0  }
0x23: {  	[sflag:s15] =	ssyncadd.s32 $0xFFFFD800  }
0x24: {  	[tilespmem:s19], [sflag:$0x1] =	stream.indirect.gather [hbm4b:s0+s18], $0x80, s4, s18, $0xb8;
	[tilespmem:$0x17240] =	vst v63  }
0x25: {  	_ = 	snop  }
0x26: {  	[tilespmem:s20], [sflag:$0x2] =	stream.indirect.gather [hbm4b:s5+s18], $0x1, s4, s18, $0xb8;
	[tilespmem:$0x17240] =	vst v63  }
0x27: {  	[bflag:$0x0] =	sbarrier.arrive $0xFFFF  }
0x28: {  	_ =	swait.ge [sflag:s21], $0x4000  }
0x29: {  	[sflag:s21] =	ssyncset.done $0x0  }
0x2a: {  	[sflag:s21] =	ssyncadd.s32 $0xFFFFC000  }
0x2b: {  	_ =	swait.ge [sflag:s22], $0x80  }
0x2c: {  	[sflag:s22] =	ssyncset.done $0x0  }
0x2d: {  	s30 =	simm.s32 $0x80;
	[sflag:s22] =	ssyncadd.s32 $0xFFFFFF80  }
0x2e: {  	[tilespmem:s23], [sflag:$0x1] =	stream.indirect.gather [hbm4b:s0+s18], $0x80, s30, s18, $0xb8;
	[tilespmem:$0x17240] =	vst v63  }
0x2f: {  	_ = 	snop  }
0x30: {  	[tilespmem:s24], [sflag:$0x2] =	stream.indirect.gather [hbm4b:s5+s18], $0x1, s30, s18, $0xb8;
	[tilespmem:$0x17240] =	vst v63  }
0x31: {  	s30 =	simm.s32 $0x2800  }
0x32: {  	[spmem:s2] =	stream.indirect.scatter.add.f32 [tilespmem:s19], [sflag:$0x3], $0x80, s30, s18, $0xb8;
	[tilespmem:$0x17240] =	vst v63  }
0x33: {  	_ =	swait.ge [sflag:s15], $0x4000  }
0x34: {  	[sflag:s15] =	ssyncset.done $0x0  }
0x35: {  	[sflag:s15] =	ssyncadd.s32 $0xFFFFC000  }
0x36: {  	[spmem:s3] =	stream.indirect.scatter.add.f32 [tilespmem:s20], [sflag:$0x3], $0x1, s30, s18, $0xb8;
	[tilespmem:$0x17240] =	vst v63  }
0x37: {  	_ =	swait.ge [sflag:s15], $0x80  }
0x38: {  	[sflag:s15] =	ssyncset.done $0x0  }
0x39: {  	[sflag:s15] =	ssyncadd.s32 $0xFFFFFF80  }
0x3a: {  	_ =	swait.ge [sflag:s21], $0x4000  }
0x3b: {  	[sflag:s21] =	ssyncset.done $0x0  }
0x3c: {  	[sflag:s21] =	ssyncadd.s32 $0xFFFFC000  }
0x3d: {  	_ =	swait.ge [sflag:s22], $0x80  }
0x3e: {  	[sflag:s22] =	ssyncset.done $0x0  }
0x3f: {  	s30 =	simm.s32 $0x100;
	[sflag:s22] =	ssyncadd.s32 $0xFFFFFF80  }
0x40: {  	[tilespmem:s19], [sflag:$0x1] =	stream.indirect.gather [hbm4b:s0+s18], $0x80, s30, s18, $0xb8;
	[tilespmem:$0x17240] =	vst v63  }
0x41: {  	_ = 	snop  }
0x42: {  	[tilespmem:s20], [sflag:$0x2] =	stream.indirect.gather [hbm4b:s5+s18], $0x1, s30, s18, $0xb8;
	[tilespmem:$0x17240] =	vst v63  }
0x43: {  	s30 =	simm.s32 $0x2880  }
0x44: {  	[spmem:s2] =	stream.indirect.scatter.add.f32 [tilespmem:s23], [sflag:$0x3], $0x80, s30, s18, $0xb8;
	[tilespmem:$0x17240] =	vst v63  }
0x45: {  	_ =	swait.ge [sflag:s15], $0x4000  }
0x46: {  	[sflag:s15] =	ssyncset.done $0x0  }
0x47: {  	[sflag:s15] =	ssyncadd.s32 $0xFFFFC000  }
0x48: {  	[spmem:s3] =	stream.indirect.scatter.add.f32 [tilespmem:s24], [sflag:$0x3], $0x1, s30, s18, $0xb8;
	[tilespmem:$0x17240] =	vst v63  }
0x49: {  	_ =	swait.ge [sflag:s15], $0x80  }
0x4a: {  	s30 =	simm.s32 $0x400;
	[sflag:s15] =	ssyncset.done $0x0  }
.LBB2_2:
0x4b: {  	p1 =	sne.s32 s30, $0x9800  }
0x4c: {  	[sflag:s15] =	ssyncadd.s32 $0xFFFFFF80;
	s31 =	smov.u32 s30;
	s30 =	sadd.s32 $0x400, s30  }
0x4d: {  	_ =	swait.ge [sflag:s21], $0x4000  }
0x4e: {  	[sflag:s21] =	ssyncset.done $0x0  }
0x4f: {  	[sflag:s21] =	ssyncadd.s32 $0xFFFFC000  }
0x50: {  	_ =	swait.ge [sflag:s22], $0x80  }
0x51: {  	s31 =	sshra.s32 s31, $0x2;
	[sflag:s22] =	ssyncset.done $0x0  }
0x52: {  	s1 =	sadd.s32 $0x80, s31;
	[sflag:s22] =	ssyncadd.s32 $0xFFFFFF80  }
0x53: {  	[tilespmem:s23], [sflag:$0x1] =	stream.indirect.gather [hbm4b:s0+s18], $0x80, s1, s18, $0xb8;
	[tilespmem:$0x17240] =	vst v63  }
0x54: {  	_ = 	snop  }
0x55: {  	[tilespmem:s24], [sflag:$0x2] =	stream.indirect.gather [hbm4b:s5+s18], $0x1, s1, s18, $0xb8;
	[tilespmem:$0x17240] =	vst v63  }
0x56: {  	s1 =	sadd.s32 $0x2800, s31  }
0x57: {  	[spmem:s2] =	stream.indirect.scatter.add.f32 [tilespmem:s19], [sflag:$0x3], $0x80, s1, s18, $0xb8;
	[tilespmem:$0x17240] =	vst v63  }
0x58: {  	_ =	swait.ge [sflag:s15], $0x4000  }
0x59: {  	[sflag:s15] =	ssyncset.done $0x0  }
0x5a: {  	[sflag:s15] =	ssyncadd.s32 $0xFFFFC000  }
0x5b: {  	[spmem:s3] =	stream.indirect.scatter.add.f32 [tilespmem:s20], [sflag:$0x3], $0x1, s1, s18, $0xb8;
	[tilespmem:$0x17240] =	vst v63  }
0x5c: {  	_ =	swait.ge [sflag:s15], $0x80  }
0x5d: {  	[sflag:s15] =	ssyncset.done $0x0  }
0x5e: {  	[sflag:s15] =	ssyncadd.s32 $0xFFFFFF80  }
0x5f: {  	_ =	swait.ge [sflag:s21], $0x4000  }
0x60: {  	[sflag:s21] =	ssyncset.done $0x0  }
0x61: {  	[sflag:s21] =	ssyncadd.s32 $0xFFFFC000  }
0x62: {  	_ =	swait.ge [sflag:s22], $0x80  }
0x63: {  	[sflag:s22] =	ssyncset.done $0x0  }
0x64: {  	s1 =	sadd.s32 $0x100, s31;
	[sflag:s22] =	ssyncadd.s32 $0xFFFFFF80  }
0x65: {  	[tilespmem:s19], [sflag:$0x1] =	stream.indirect.gather [hbm4b:s0+s18], $0x80, s1, s18, $0xb8;
	[tilespmem:$0x17240] =	vst v63  }
0x66: {  	_ = 	snop  }
0x67: {  	[tilespmem:s20], [sflag:$0x2] =	stream.indirect.gather [hbm4b:s5+s18], $0x1, s1, s18, $0xb8;
	[tilespmem:$0x17240] =	vst v63  }
0x68: {  	s1 =	sadd.s32 $0x2880, s31  }
0x69: {  	[spmem:s2] =	stream.indirect.scatter.add.f32 [tilespmem:s23], [sflag:$0x3], $0x80, s1, s18, $0xb8;
	[tilespmem:$0x17240] =	vst v63  }
0x6a: {  	_ =	swait.ge [sflag:s15], $0x4000  }
.Ltmp0:
0x6b: {  	[sflag:s15] =	ssyncset.done $0x0;
	(pc) =	sbr.rel @p1 .LBB2_2-.Ltmp0, $4  }
0x6c: {  	[sflag:s15] =	ssyncadd.s32 $0xFFFFC000  }
0x6d: {  	[spmem:s3] =	stream.indirect.scatter.add.f32 [tilespmem:s24], [sflag:$0x3], $0x1, s1, s18, $0xb8;
	[tilespmem:$0x17240] =	vst v63  }
0x6e: {  	_ =	swait.ge [sflag:s15], $0x80  }
0x6f: {  	[sflag:s15] =	ssyncset.done $0x0  }
0x70: {  	[sflag:s15] =	ssyncadd.s32 $0xFFFFFF80  }
0x71: {  	_ =	swait.ge [sflag:s21], $0x4000  }
0x72: {  	[sflag:s21] =	ssyncset.done $0x0  }
0x73: {  	[sflag:s21] =	ssyncadd.s32 $0xFFFFC000  }
0x74: {  	_ =	swait.ge [sflag:s22], $0x80  }
0x75: {  	[sflag:s22] =	ssyncset.done $0x0  }
0x76: {  	[sflag:s22] =	ssyncadd.s32 $0xFFFFFF80  }
0x77: {  	[tilespmem:s23], [sflag:$0x1] =	stream.indirect.gather [hbm4b:s0+s18], $0x80, s25, s18, $0xb8;
	[tilespmem:$0x17240] =	vst v63  }
0x78: {  	_ = 	snop  }
0x79: {  	[tilespmem:s24], [sflag:$0x2] =	stream.indirect.gather [hbm4b:s5+s18], $0x1, s25, s18, $0xb8;
	[tilespmem:$0x17240] =	vst v63  }
0x7a: {  	_ = 	snop  }
0x7b: {  	[spmem:s2] =	stream.indirect.scatter.add.f32 [tilespmem:s19], [sflag:$0x3], $0x80, s26, s18, $0xb8;
	[tilespmem:$0x17240] =	vst v63  }
0x7c: {  	_ =	swait.ge [sflag:s15], $0x4000  }
0x7d: {  	[sflag:s15] =	ssyncset.done $0x0  }
0x7e: {  	[sflag:s15] =	ssyncadd.s32 $0xFFFFC000  }
0x7f: {  	[spmem:s3] =	stream.indirect.scatter.add.f32 [tilespmem:s20], [sflag:$0x3], $0x1, s26, s18, $0xb8;
	[tilespmem:$0x17240] =	vst v63  }
0x80: {  	_ =	swait.ge [sflag:s15], $0x80  }
0x81: {  	[sflag:s15] =	ssyncset.done $0x0  }
0x82: {  	[sflag:s15] =	ssyncadd.s32 $0xFFFFFF80  }
0x83: {  	_ =	swait.ge [sflag:s21], $0x4000  }
0x84: {  	[sflag:s21] =	ssyncset.done $0x0  }
0x85: {  	[sflag:s21] =	ssyncadd.s32 $0xFFFFC000  }
0x86: {  	_ =	swait.ge [sflag:s22], $0x80  }
0x87: {  	[sflag:s22] =	ssyncset.done $0x0  }
0x88: {  	[sflag:s22] =	ssyncadd.s32 $0xFFFFFF80  }
0x89: {  	[spmem:s2] =	stream.indirect.scatter.add.f32 [tilespmem:s23], [sflag:$0x3], $0x80, s28, s18, $0xb8;
	[tilespmem:$0x17240] =	vst v63  }
0x8a: {  	_ =	swait.ge [sflag:s15], $0x4000  }
0x8b: {  	[sflag:s15] =	ssyncset.done $0x0  }
0x8c: {  	[sflag:s15] =	ssyncadd.s32 $0xFFFFC000  }
0x8d: {  	[spmem:s3] =	stream.indirect.scatter.add.f32 [tilespmem:s24], [sflag:$0x3], $0x1, s28, s18, $0xb8;
	[tilespmem:$0x17240] =	vst v63  }
0x8e: {  	_ =	swait.ge [sflag:s15], $0x80  }
0x8f: {  	[sflag:s15] =	ssyncset.done $0x0  }
0x90: {  	[sflag:s15] =	ssyncadd.s32 $0xFFFFFF80  }
0x91: {  	[bflag:$0x0] =	sbarrier.arrive $0xFFFF  }
0x92: {  	[hbm:s11], [sflag:s8] =	dma.local [spmem:s14], $0x1400  }
0x93: {  	s29 =	sadd.s32 $0x1, s29;
	_ =	swait.ge [sflag:s15], $0x1400  }
0x94: {  	p1 =	sne.s32 s29, s13;
	[sflag:s15] =	ssyncset.done $0x0  }
.Ltmp1:
0x95: {  	s1 =	simm.s32 @!p0 $0x3;
	[sflag:s15] =	ssyncadd.s32 $0xFFFFEC00;
	(pc) =	sbr.rel @p1 .LBB2_1-.Ltmp1, $4  }
0x96: {  	[hbm:s12], [sflag:s8] =	dma.local @!p0 [spmem:s16], $0x280  }
0x97: {  	_ =	swait.ge @!p0 [sflag:s1], $0x280  }
0x98: {  	[sflag:s1] =	ssyncset.done @!p0 $0x0  }
0x99: {  	[sflag:s1] =	ssyncadd.s32 @!p0 $0xFFFFFD80  }
0x9a: {  	_ =	sfence.sel $0x180000  }
0x9b: {  	[bflag:$0x0] =	sbarrier.arrive $0xFFFF  }
0x9c: {  	_ =	strace $0x9000004A  }
0x9d: {  	[bflag:$0x2] =	sbarrier.arrive $0xFFFF  }
0x9e: {  	s0 =	rddreg [dreg:$0x4]  }
0x9f: {  	s0 =	sadd.s32 @!p0 $0x100000, s0  }
0xa0: {  	[sflag:s0] =	ssyncadd.tile.s32 @!p0 $0x1;
	_ =	shalt  }
.Lfunc_end2:
_tile_overlayer_lowered:
.L_overlay_start_2:
0xa1: {  	(tag) =	ssettag $0x2  }
0xa2: {  	s0 =	rddreg [dreg:$0x0];
	s2 =	stileid.u32  }
0xa3: {  	s1 =	rddreg [dreg:$0x1];
	p0 =	sne.s32 s2, $0x0  }
0xa4: {  	s3 =	rddreg [dreg:$0x2];
	[bflag:$0x3] =	sbarrier.arrive $0xFFFF;
	s2 =	simm.s32 @!p0 $0x1C03  }
0xa5: {  	[timem:s3], [sflag:s2] =	dma.local @!p0 [hbm:s0], s1  }
0xa6: {  	s0 =	simm.s32 @!p0 $0x3  }
0xa7: {  	_ =	swait.ge @!p0 [sflag:s0], s1  }
0xa8: {  	s1 =	ssub.s32 @!p0 $0x0, s1;
	[sflag:s0] =	ssyncset.done @!p0 $0x0  }
0xa9: {  	[sflag:s0] =	ssyncadd.s32 @!p0 s1  }
0xaa: {  	[bflag:$0x3] =	sbarrier.arrive $0xFFFF  }
0xab: {  	_ =	shalt  }

// kernel: kernel.15.cloned.1.call-start
scs
__scs_entry_jumppad:
0x0: {  	(pc) =	sbr.rel $0x88, $3  }
0x1: {  	(tag) =	ssettag $0x0;
	lr =	simm.s32 $0x1  }
0x2: {  	[smem:$0x3F9C] =	sst lr;
	_ =	strace $0xD0000000  }
0x3: {  	_ = 	snop  }
0x4: {  	_ = 	snop  }
0x5: {  	_ = 	snop  }
0x6: {  	_ = 	snop  }
0x7: {  	_ = 	snop  }
__scs_overlays_trampoline_lowered:
0x8: {  	[smem:$0x3FAB] =	sst s0  }
0x9: {  	[smem:$0x3FAC] =	sst s1  }
0xa: {  	[smem:$0x3FAD] =	sst s2  }
0xb: {  	[smem:$0x3FAE] =	sst s3  }
0xc: {  	[smem:$0x3FAF] =	sst s4  }
0xd: {  	[smem:$0x3FB0] =	sst s5  }
0xe: {  	[smem:$0x3FB1] =	sst s6  }
0xf: {  	[smem:$0x3FB2] =	sst s7  }
0x10: {  	[smem:$0x3FB3] =	sst s8  }
0x11: {  	[smem:$0x3FB4] =	sst s9;
	s0 =	simm.s32 @!p0 $0x0  }
0x12: {  	s1 =	sld [smem:$0x3F9A];
	s0 =	simm.s32 @p0 $0x1  }
0x13: {  	[smem:$0x3FB5] =	sst s0;
	s0 =	simm.s32 @!p1 $0x0  }
0x14: {  	s2 =	sld [smem:$0x3F99];
	s0 =	simm.s32 @p1 $0x1  }
0x15: {  	[smem:$0x3FB6] =	sst s0;
	s0 =	simm.s32 @!p2 $0x0  }
0x16: {  	s3 =	sld [smem:$0x3FDB];
	s0 =	simm.s32 @p2 $0x1  }
0x17: {  	s4 =	simm.s32 $0x1BF5;
	[smem:$0x3FB8] =	sst s0  }
0x18: {  	s0 =	sld [smem:$0x3F9B];
	_ =	swait.ge [sflag:s4], $0x0  }
0x19: {  	s7 =	sld [smem:$0x3F9C]  }
0x1a: {  	s8 =	sadd.s32 $0xFFFFE003, lr  }
0x1b: {  	s9 =	sadd.s32 $0xFFFFFEF7, lr;
	s5 =	simm.s32 $0xFFFFFFFF;
	p2 =	slt.u32 s8, $0xFFFFF086  }
0x1c: {  	p1 =	slt.u32 s9, $0xF7A;
	s5 =	simm.s32 @!p2 $0x0  }
0x1d: {  	s5 =	simm.s32 @p1 $0x1;
	p0 =	seq.s32 s7, s2  }
0x1e: {  	s7 =	smul.u32 @!p0 $0xF7A, s2;
	p2 =	seq.s32 @!p0 s5, $0x0  }
0x1f: {  	s9 =	smul.u32 $0xF7A, s1;
	s8 =	simm.s32 @!p0 $0x1BF5;
	p2 =	por !p2, p0  }
0x20: {  	[sflag:s8] =	ssyncset.s32 @!p0 $0xFFFFF086;
	s6 =	sadd.s32 @!p0 s3, s7;
	s7 =	simm.s32 @!p0 $0x108  }
0x21: {  	s3 =	sadd.s32 s3, s9;
	s6 =	sadd.s32 @!p0 $0x88, s6;
	s7 =	simm.s32 @p2 $0x1082  }
0x22: {  	[simem:s7], [sflag:s8] =	dma.local @!p0 [hbm:s6], $0xF7A  }
0x23: {  	s9 =	sor.u32 $0xD0000000, s2;
	s6 =	simm.s32 $0x108;
	_ =	swait.ge @!p0 [sflag:s8], $0x0  }
0x24: {  	s3 =	sadd.s32 $0x88, s3;
	s6 =	simm.s32 @!p1 $0x1082;
	[sflag:s4] =	ssyncset.s32 $0xFFFFF086  }
0x25: {  	[simem:s6], [sflag:s4] =	dma.local [hbm:s3], $0xF7A  }
0x26: {  	[smem:$0x3F9C] =	sst s1;
	(tag) =	ssettag s2;
	_ =	strace s9  }
0x27: {  	s1 =	sld [smem:$0x3FAC]  }
0x28: {  	s2 =	sld [smem:$0x3FAD]  }
0x29: {  	s4 =	sld [smem:$0x3FAF]  }
0x2a: {  	p0 =	seq.s32 s5, $0x0;
	s5 =	sld [smem:$0x3FB0]  }
0x2b: {  	s6 =	sld [smem:$0x3FB1]  }
0x2c: {  	s7 =	sld [smem:$0x3FB2]  }
0x2d: {  	s3 =	simm.s32 $0x108;
	s8 =	sld [smem:$0x3FB3]  }
0x2e: {  	s3 =	simm.s32 @!p0 $0x1082;
	s9 =	sld [smem:$0x3FB4]  }
0x2f: {  	lr =	sadd.s32 s0, s3;
	s0 =	sld [smem:$0x3FAB]  }
0x30: {  	s3 =	sld [smem:$0x3FAE]  }
0x31: {  	[smem:$0x3FB7] =	sst s10  }
0x32: {  	s10 =	sld [smem:$0x3FB5];
	_ =	sdelay $0x3  }
0x33: {  	p0 =	seq.s32 s10, $0x1;
	s10 =	sld [smem:$0x3FB7];
	_ =	sdelay $0x3  }
0x34: {  	[smem:$0x3FB7] =	sst s10  }
0x35: {  	s10 =	sld [smem:$0x3FB6];
	_ =	sdelay $0x3  }
0x36: {  	p1 =	seq.s32 s10, $0x1;
	s10 =	sld [smem:$0x3FB7];
	_ =	sdelay $0x3  }
0x37: {  	[smem:$0x3FB7] =	sst s10  }
0x38: {  	s10 =	sld [smem:$0x3FB8]  }
0x39: {  	_ = 	snop;
	(pc) =	sbr.ind lr, $3  }
0x3a: {  	_ = 	snop  }
0x3b: {  	_ = 	snop  }
0x3c: {  	p2 =	seq.s32 s10, $0x1;
	s10 =	sld [smem:$0x3FB7]  }
0x3d: {  	_ =	shalt  }
0x3e: {  	_ =	shalt  }
0x3f: {  	_ =	shalt  }
0x40: {  	_ =	shalt  }
0x41: {  	_ =	shalt  }
0x42: {  	_ =	shalt  }
0x43: {  	_ =	shalt  }
0x44: {  	_ =	shalt  }
0x45: {  	_ =	shalt  }
0x46: {  	_ =	shalt  }
0x47: {  	_ =	shalt  }
0x48: {  	_ =	shalt  }
0x49: {  	_ =	shalt  }
0x4a: {  	_ =	shalt  }
0x4b: {  	_ =	shalt  }
0x4c: {  	_ =	shalt  }
0x4d: {  	_ =	shalt  }
0x4e: {  	_ =	shalt  }
0x4f: {  	_ =	shalt  }
0x50: {  	_ =	shalt  }
0x51: {  	_ =	shalt  }
0x52: {  	_ =	shalt  }
0x53: {  	_ =	shalt  }
0x54: {  	_ =	shalt  }
0x55: {  	_ =	shalt  }
0x56: {  	_ =	shalt  }
0x57: {  	_ =	shalt  }
0x58: {  	_ =	shalt  }
0x59: {  	_ =	shalt  }
0x5a: {  	_ =	shalt  }
0x5b: {  	_ =	shalt  }
0x5c: {  	_ =	shalt  }
0x5d: {  	_ =	shalt  }
0x5e: {  	_ =	shalt  }
0x5f: {  	_ =	shalt  }
0x60: {  	_ =	shalt  }
0x61: {  	_ =	shalt  }
0x62: {  	_ =	shalt  }
0x63: {  	_ =	shalt  }
0x64: {  	_ =	shalt  }
0x65: {  	_ =	shalt  }
0x66: {  	_ =	shalt  }
0x67: {  	_ =	shalt  }
0x68: {  	_ =	shalt  }
0x69: {  	_ =	shalt  }
0x6a: {  	_ =	shalt  }
0x6b: {  	_ =	shalt  }
0x6c: {  	_ =	shalt  }
0x6d: {  	_ =	shalt  }
0x6e: {  	_ =	shalt  }
0x6f: {  	_ =	shalt  }
0x70: {  	_ =	shalt  }
0x71: {  	_ =	shalt  }
0x72: {  	_ =	shalt  }
0x73: {  	_ =	shalt  }
0x74: {  	_ =	shalt  }
0x75: {  	_ =	shalt  }
0x76: {  	_ =	shalt  }
0x77: {  	_ =	shalt  }
0x78: {  	_ =	shalt  }
0x79: {  	_ =	shalt  }
0x7a: {  	_ =	shalt  }
0x7b: {  	_ =	shalt  }
0x7c: {  	_ =	shalt  }
0x7d: {  	_ =	shalt  }
0x7e: {  	_ =	shalt  }
0x7f: {  	_ =	shalt  }
0x80: {  	_ =	shalt  }
0x81: {  	_ =	shalt  }
0x82: {  	_ =	shalt  }
0x83: {  	_ =	shalt  }
0x84: {  	_ =	shalt  }
0x85: {  	_ =	shalt  }
0x86: {  	_ =	shalt  }
0x87: {  	_ =	shalt  }
.Lfunc_end0:
.L_simem_size_0:
called_computation.2_lowered:
.L_overlay_start_0:
0x88: {  	s2 =	sld [smem:$0x3FD9]  }
0x89: {  	s3 =	sld [smem:$0x3FFE];
	_ =	sdelay $0x1  }
0x8a: {  	s1 =	srdreg.scid  }
0x8b: {  	s0 =	sand.u32 $0x1, s1  }
0x8c: {  	s17 =	sshll.u32 s0, $0xA;
	s2 =	sadd.s32 s3, s2  }
0x8d: {  	s2 =	sadd.s32 s2, s17  }
0x8e: {  	[smem:$0x3FC3] =	sst s2  }
0x8f: {  	_ = 	snop  }
0x90: {  	s2 =	sld [smem:$0x3FD0];
	(tm) =	ssettm $0x1  }
0x91: {  	s18 =	sld [smem:$0x3FFB];
	_ =	sdelay $0x3  }
0x92: {  	_ =	strace s18  }
0x93: {  	s3 =	sld [smem:$0x3FFC];
	_ =	sdelay $0x3  }
0x94: {  	_ =	strace s3  }
0x95: {  	s3 =	sld [smem:$0x3FFD];
	_ =	sdelay $0x3  }
0x96: {  	_ =	strace s3  }
0x97: {  	_ =	strace $0x8FFFFFFF  }
0x98: {  	s19 =	sld [smem:$0x3FDB];
	_ =	sdelay $0x1  }
0x99: {  	s4 =	simm.s32 $_scs_section_size  }
0x9a: {  	s5 =	simm.s32 $_size__tile_overlayer_lowered;
	s6 =	simm.s32 $_tile_overlayer_lowered  }
0x9b: {  	s22 =	simm.s32 $0x1BFF;
	s21 =	sshll.u32 s6, $0x1;
	s3 =	sadd.s32 s4, s19  }
0x9c: {  	s7 =	simm.s32 $0x0;
	s20 =	sshll.u32 s5, $0x1;
	s5 =	sadd.s32 s21, s3  }
0x9d: {  	[timem:s7], [sflag:s22] =	dma.local [hbm:s5], s20  }
0x9e: {  	_ =	swait.ge [sflag:s22], s20  }
0x9f: {  	s4 =	ssub.s32 $0x0, s20;
	[sflag:s22] =	ssyncset.done $0x0  }
0xa0: {  	[sflag:s22] =	ssyncadd.s32 s4;
	_ =	sdelay $0x1  }
0xa1: {  	s23 =	simm.s32 $0x1B8B  }
0xa2: {  	_ =	swait.ge [sflag:s23], $0x1  }
0xa3: {  	[sflag:s23] =	ssyncset.done $0x0  }
0xa4: {  	s25 =	simm.s32 $0x1B8E;
	s24 =	sld [smem:$0x3FFE];
	[sflag:s23] =	ssyncadd.s32 $0xFFFFFFFF  }
0xa5: {  	s26 =	simm.s32 $execute0_lowered;
	[smem:$0x3FD2] =	sst s25  }
0xa6: {  	s5 =	sshll.u32 s26, $0x1;
	_ =	strace $0x8000004C;
	[dreg:$0x1] =	wrdreg $0xFFFFFFFF  }
0xa7: {  	s28 =	simm.s32 $_size_execute0_lowered;
	s3 =	sadd.s32 s3, s5;
	[dreg:$0x0] =	wrdreg $0x0  }
0xa8: {  	s5 =	sshll.u32 s28, $0x1;
	[dreg:$0x2] =	wrdreg s3  }
0xa9: {  	[dreg:$0x3] =	wrdreg s5  }
0xaa: {  	[dreg:$0x4] =	wrdreg $0xC0  }
0xab: {  	_ =	task [dreg:s7], $0x5FFFF  }
0xac: {  	[dreg:$0x1] =	wrdreg $0xFFFFFFFF  }
0xad: {  	[dreg:$0x0] =	wrdreg $0x60  }
0xae: {  	[dreg:$0x2] =	wrdreg s2  }
0xaf: {  	[dreg:$0x3] =	wrdreg s24  }
0xb0: {  	[dreg:$0x4] =	wrdreg $0x90000  }
0xb1: {  	[dreg:$0x5] =	wrdreg $0x9  }
0xb2: {  	_ =	task.clear_ibuf [dreg:s7], $0x6FFFF;
	_ =	strace $0x9000004C  }
0xb3: {  	s29 =	simm.s32 $0x9;
	_ =	strace $0x8000004E  }
0xb4: {  	_ =	swait.ge [sflag:s29], $0x1  }
0xb5: {  	[sflag:s29] =	ssyncadd.s32 $0xFFFFFFFF  }
0xb6: {  	_ =	strace $0x9000004E  }
0xb7: {  	_ =	sfence  }
0xb8: {  	s30 =	sld [smem:$0x0];
	_ =	sdelay $0x2  }
0xb9: {  	s31 =	sshll.u32 s1, $0xD;
	s1 =	sshrl.u32 s1, $0x2  }
0xba: {  	s3 =	sand.u32 $0x4000, s31;
	s1 =	sadd.s32 s1, s30  }
0xbb: {  	s0 =	sor.u32 s3, s0;
	s1 =	sshll.u32 s1, $0x11  }
0xbc: {  	s0 =	sor.u32 s1, s0  }
0xbd: {  	s0 =	sadd.s32 $0x8F2B, s0  }
0xbe: {  	[sflag:s0] =	ssyncadd.remote.s32 $0x1  }
0xbf: {  	_ =	sfence.sel $0xFFFF  }
0xc0: {  	[dreg:$0x0] =	wrdreg $0xFFFFFFFF;
	(pc) =	sbr.abs _section_cstart, $3  }
0xc1: {  	[dreg:$0x1] =	wrdreg $0xFFFFFFFF  }
0xc2: {  	_ =	task.clear_ibuf [dreg:s7], $0x2FFFF;
	_ =	strace $0x9FFFFFFF  }
0xc3: {  	(tm) =	ssettm $0x7FFFFFFF  }
tec
execute0_lowered:
.L_overlay_start_1:
0x0: {  	(tag) =	ssettag $0x1  }
0x1: {  	s1 =	rddreg [dreg:$0x0]  }
0x2: {  	s0 =	rddreg [dreg:$0x1]  }
0x3: {  	s2 =	rddreg [dreg:$0x2];
	s3 =	srdreg.scid  }
0x4: {  	s4 =	simm.s32 $0x0;
	s9 =	stileid.u32;
	s11 =	simm.s32 $0x2  }
0x5: {  	s12 =	simm.s32 $0x800;
	s13 =	simm.s32 $0x80;
	s14 =	simm.s32 $0x1000  }
0x6: {  	s15 =	simm.s32 $0x1;
	s17 =	simm.s32 $0x5000;
	s18 =	simm.s32 $0x900  }
0x7: {  	s19 =	simm.s32 $0x980;
	s28 =	simm.s32 $0xB80;
	s29 =	simm.s32 $0x300  }
0x8: {  	s30 =	simm.s32 $0xC00;
	s31 =	simm.s32 $0x380;
	s6 =	smul.u32 $0x14000, s9  }
0x9: {  	s3 =	sand.u32 $0x1, s3;
	[smem:$0x7FF] =	sst s4;
	s8 =	smul.u32 $0x50000, s9  }
0xa: {  	s10 =	sadd.s32 $0x14800, s0;
	s22 =	sshll.u32 s9, $0x6;
	s23 =	sshll.u32 s9, $0xB  }
0xb: {  	s5 =	smul.u32 $0x140000, s3;
	_ =	strace $0x8000004D;
	s7 =	sshll.u32 s3, $0xF  }
0xc: {  	s3 =	ssub.s32 $0x2, s3;
	[dreg:$0x5] =	wrdreg s10;
	s10 =	sor.u32 $0x1C02, s22  }
0xd: {  	s22 =	simm.s32 $0x180;
	s7 =	sadd.s32 s7, s0;
	s20 =	sshrl.u32 s3, $0x1  }
0xe: {  	s21 =	sshrl.u32 s8, $0x2;
	s8 =	simm.s32 $0x0;
	[dreg:$0x6] =	wrdreg s10  }
0xf: {  	s5 =	sadd.s32 s6, s5;
	s3 =	ssub.s32 s3, s20;
	s24 =	sadd.s32 s23, s7  }
0x10: {  	s20 =	simm.s32 $0x100;
	s23 =	simm.s32 $0xA80;
	s5 =	sshrl.u32 s5, $0x3  }
0x11: {  	s25 =	smax.u32 s3, $0x1;
	s26 =	sadd.s32 $0x54A00, s24;
	s9 =	sadd.s32 $0x4800, s24  }
0x12: {  	s24 =	simm.s32 $0x200;
	s3 =	simm.s32 $0x400;
	[dreg:$0x8] =	wrdreg s25  }
0x13: {  	s0 =	sadd.s32 s5, s0;
	s5 =	sadd.s32 s21, s2;
	[dreg:$0x4] =	wrdreg s26  }
0x14: {  	s21 =	simm.s32 $0xA00;
	s25 =	simm.s32 $0xB00;
	s0 =	sadd.s32 $0x64A00, s0  }
0x15: {  	s26 =	simm.s32 $0x280;
	s7 =	sshrl.u32 s5, $0x3;
	[dreg:$0x7] =	wrdreg s0  }
0x16: {  	s5 =	simm.s32 $0x480;
	s0 =	simm.s32 $0xC80;
	[dreg:$0x9] =	wrdreg s7  }
.LBB2_1:
0x17: {  	[dreg:$0xa] =	wrdreg s8  }
0x18: {  	s6 =	rddreg [dreg:$0x5]  }
0x19: {  	[spmem:s7], [sflag:s10] =	dma.local [hbm:s6], $0x2800  }
0x1a: {  	_ =	swait.ge [sflag:s11], $0x2800  }
0x1b: {  	[sflag:s11] =	ssyncset.done $0x0  }
0x1c: {  	[sflag:s11] =	ssyncadd.s32 $0xFFFFD800  }
0x1d: {  	s8 =	sadd.s32 $0x0, s9;
	[bflag:$0x0] =	sbarrier.arrive $0xFFFF  }
0x1e: {  	[tilespmem:s4], [sflag:$0x2] =	stream.linear.gather [hbm4b:s8+s4], $0x500, $0x38;
	[tilespmem:$0x1D000] =	vst v63  }
0x1f: {  	_ =	swait.ge [sflag:s11], $0x500  }
0x20: {  	s10 =	rddreg [dreg:$0x4];
	[sflag:s11] =	ssyncset.done $0x0  }
0x21: {  	[sflag:s11] =	ssyncadd.s32 $0xFFFFFB00;
	s6 =	sadd.s32 $0x0, s10  }
0x22: {  	[tilespmem:s12], [sflag:$0x2] =	stream.linear.gather [hbm4b:s6+s4], $0x500, $0x38;
	[tilespmem:$0x1D000] =	vst v63  }
0x23: {  	_ =	swait.ge [sflag:s11], $0x500  }
0x24: {  	[sflag:s11] =	ssyncset.done $0x0  }
0x25: {  	[sflag:s11] =	ssyncadd.s32 $0xFFFFFB00  }
0x26: {  	[tilespmem:s14], [sflag:$0x1] =	stream.indirect.gather [hbm4b:s1+s13], $0x80, s12, s13, $0xb8;
	[tilespmem:$0x1D000] =	vst v63  }
0x27: {  	_ =	swait.ge [sflag:s15], $0x4000  }
0x28: {  	[sflag:s15] =	ssyncset.done $0x0  }
0x29: {  	s16 =	simm.s32 $0x880;
	[sflag:s15] =	ssyncadd.s32 $0xFFFFC000  }
0x2a: {  	[tilespmem:s17], [sflag:$0x1] =	stream.indirect.gather [hbm4b:s1+s13], $0x80, s16, s13, $0xb8;
	[tilespmem:$0x1D000] =	vst v63  }
0x2b: {  	_ = 	snop  }
0x2c: {  	[spmem:s2] =	stream.indirect.scatter.add.f32 [tilespmem:s14], [sflag:$0x2], $0x80, s4, s13, $0xb8;
	[tilespmem:$0x1D000] =	vst v63  }
0x2d: {  	_ =	swait.ge [sflag:s11], $0x4000  }
0x2e: {  	[sflag:s11] =	ssyncset.done $0x0  }
0x2f: {  	[sflag:s11] =	ssyncadd.s32 $0xFFFFC000  }
0x30: {  	_ =	swait.ge [sflag:s15], $0x4000  }
0x31: {  	[sflag:s15] =	ssyncset.done $0x0  }
0x32: {  	[sflag:s15] =	ssyncadd.s32 $0xFFFFC000  }
0x33: {  	[tilespmem:s14], [sflag:$0x1] =	stream.indirect.gather [hbm4b:s1+s13], $0x80, s18, s13, $0xb8;
	[tilespmem:$0x1D000] =	vst v63  }
0x34: {  	_ = 	snop  }
0x35: {  	[spmem:s2] =	stream.indirect.scatter.add.f32 [tilespmem:s17], [sflag:$0x2], $0x80, s13, s13, $0xb8;
	[tilespmem:$0x1D000] =	vst v63  }
0x36: {  	_ =	swait.ge [sflag:s11], $0x4000  }
0x37: {  	[sflag:s11] =	ssyncset.done $0x0  }
0x38: {  	[sflag:s11] =	ssyncadd.s32 $0xFFFFC000  }
0x39: {  	_ =	swait.ge [sflag:s15], $0x4000  }
0x3a: {  	[sflag:s15] =	ssyncset.done $0x0  }
0x3b: {  	[sflag:s15] =	ssyncadd.s32 $0xFFFFC000  }
0x3c: {  	[tilespmem:s17], [sflag:$0x1] =	stream.indirect.gather [hbm4b:s1+s13], $0x80, s19, s13, $0xb8;
	[tilespmem:$0x1D000] =	vst v63  }
0x3d: {  	_ = 	snop  }
0x3e: {  	[spmem:s2] =	stream.indirect.scatter.add.f32 [tilespmem:s14], [sflag:$0x2], $0x80, s20, s13, $0xb8;
	[tilespmem:$0x1D000] =	vst v63  }
0x3f: {  	_ =	swait.ge [sflag:s11], $0x4000  }
0x40: {  	[sflag:s11] =	ssyncset.done $0x0  }
0x41: {  	[sflag:s11] =	ssyncadd.s32 $0xFFFFC000  }
0x42: {  	_ =	swait.ge [sflag:s15], $0x4000  }
0x43: {  	[sflag:s15] =	ssyncset.done $0x0  }
0x44: {  	[sflag:s15] =	ssyncadd.s32 $0xFFFFC000  }
0x45: {  	[tilespmem:s14], [sflag:$0x1] =	stream.indirect.gather [hbm4b:s1+s13], $0x80, s21, s13, $0xb8;
	[tilespmem:$0x1D000] =	vst v63  }
0x46: {  	_ = 	snop  }
0x47: {  	[spmem:s2] =	stream.indirect.scatter.add.f32 [tilespmem:s17], [sflag:$0x2], $0x80, s22, s13, $0xb8;
	[tilespmem:$0x1D000] =	vst v63  }
0x48: {  	_ =	swait.ge [sflag:s11], $0x4000  }
0x49: {  	[sflag:s11] =	ssyncset.done $0x0  }
0x4a: {  	[sflag:s11] =	ssyncadd.s32 $0xFFFFC000  }
0x4b: {  	_ =	swait.ge [sflag:s15], $0x4000  }
0x4c: {  	[sflag:s15] =	ssyncset.done $0x0  }
0x4d: {  	[sflag:s15] =	ssyncadd.s32 $0xFFFFC000  }
0x4e: {  	[tilespmem:s17], [sflag:$0x1] =	stream.indirect.gather [hbm4b:s1+s13], $0x80, s23, s13, $0xb8;
	[tilespmem:$0x1D000] =	vst v63  }
0x4f: {  	_ = 	snop  }
0x50: {  	[spmem:s2] =	stream.indirect.scatter.add.f32 [tilespmem:s14], [sflag:$0x2], $0x80, s24, s13, $0xb8;
	[tilespmem:$0x1D000] =	vst v63  }
0x51: {  	_ =	swait.ge [sflag:s11], $0x4000  }
0x52: {  	[sflag:s11] =	ssyncset.done $0x0  }
0x53: {  	[sflag:s11] =	ssyncadd.s32 $0xFFFFC000  }
0x54: {  	_ =	swait.ge [sflag:s15], $0x4000  }
0x55: {  	[sflag:s15] =	ssyncset.done $0x0  }
0x56: {  	[sflag:s15] =	ssyncadd.s32 $0xFFFFC000  }
0x57: {  	[tilespmem:s14], [sflag:$0x1] =	stream.indirect.gather [hbm4b:s1+s13], $0x80, s25, s13, $0xb8;
	[tilespmem:$0x1D000] =	vst v63  }
0x58: {  	_ = 	snop  }
0x59: {  	[spmem:s2] =	stream.indirect.scatter.add.f32 [tilespmem:s17], [sflag:$0x2], $0x80, s26, s13, $0xb8;
	[tilespmem:$0x1D000] =	vst v63  }
0x5a: {  	_ =	swait.ge [sflag:s11], $0x4000  }
0x5b: {  	[sflag:s11] =	ssyncset.done $0x0  }
0x5c: {  	[sflag:s11] =	ssyncadd.s32 $0xFFFFC000  }
0x5d: {  	_ =	swait.ge [sflag:s15], $0x4000  }
0x5e: {  	[sflag:s15] =	ssyncset.done $0x0  }
0x5f: {  	[sflag:s15] =	ssyncadd.s32 $0xFFFFC000  }
0x60: {  	[tilespmem:s17], [sflag:$0x1] =	stream.indirect.gather [hbm4b:s1+s13], $0x80, s28, s13, $0xb8;
	[tilespmem:$0x1D000] =	vst v63  }
0x61: {  	_ = 	snop  }
0x62: {  	[spmem:s2] =	stream.indirect.scatter.add.f32 [tilespmem:s14], [sflag:$0x2], $0x80, s29, s13, $0xb8;
	[tilespmem:$0x1D000] =	vst v63  }
0x63: {  	_ =	swait.ge [sflag:s11], $0x4000  }
0x64: {  	[sflag:s11] =	ssyncset.done $0x0  }
0x65: {  	[sflag:s11] =	ssyncadd.s32 $0xFFFFC000  }
0x66: {  	_ =	swait.ge [sflag:s15], $0x4000  }
0x67: {  	[sflag:s15] =	ssyncset.done $0x0  }
0x68: {  	[sflag:s15] =	ssyncadd.s32 $0xFFFFC000  }
0x69: {  	[tilespmem:s14], [sflag:$0x1] =	stream.indirect.gather [hbm4b:s1+s13], $0x80, s30, s13, $0xb8;
	[tilespmem:$0x1D000] =	vst v63  }
0x6a: {  	_ = 	snop  }
0x6b: {  	[spmem:s2] =	stream.indirect.scatter.add.f32 [tilespmem:s17], [sflag:$0x2], $0x80, s31, s13, $0xb8;
	[tilespmem:$0x1D000] =	vst v63  }
0x6c: {  	_ =	swait.ge [sflag:s11], $0x4000  }
0x6d: {  	[sflag:s11] =	ssyncset.done $0x0  }
0x6e: {  	[sflag:s11] =	ssyncadd.s32 $0xFFFFC000  }
0x6f: {  	_ =	swait.ge [sflag:s15], $0x4000  }
0x70: {  	[sflag:s15] =	ssyncset.done $0x0  }
0x71: {  	[sflag:s15] =	ssyncadd.s32 $0xFFFFC000  }
0x72: {  	[tilespmem:s17], [sflag:$0x1] =	stream.indirect.gather [hbm4b:s1+s13], $0x80, s0, s13, $0xb8;
	[tilespmem:$0x1D000] =	vst v63  }
0x73: {  	_ = 	snop  }
0x74: {  	[spmem:s2] =	stream.indirect.scatter.add.f32 [tilespmem:s14], [sflag:$0x2], $0x80, s3, s13, $0xb8;
	[tilespmem:$0x1D000] =	vst v63  }
0x75: {  	_ =	swait.ge [sflag:s11], $0x4000  }
0x76: {  	[sflag:s11] =	ssyncset.done $0x0  }
0x77: {  	[sflag:s11] =	ssyncadd.s32 $0xFFFFC000  }
0x78: {  	_ =	swait.ge [sflag:s15], $0x4000  }
0x79: {  	[sflag:s15] =	ssyncset.done $0x0  }
0x7a: {  	[sflag:s15] =	ssyncadd.s32 $0xFFFFC000  }
0x7b: {  	[spmem:s2] =	stream.indirect.scatter.add.f32 [tilespmem:s17], [sflag:$0x2], $0x80, s5, s13, $0xb8;
	[tilespmem:$0x1D000] =	vst v63  }
0x7c: {  	_ =	swait.ge [sflag:s11], $0x4000  }
0x7d: {  	s8 =	simm.s32 $0x100;
	s6 =	simm.s32 $0x200;
	[sflag:s11] =	ssyncset.done $0x0  }
.LBB2_2:
0x7e: {  	s7 =	sadd.s32 s8, s9;
	[sflag:s11] =	ssyncadd.s32 $0xFFFFC000  }
0x7f: {  	[tilespmem:s4], [sflag:$0x2] =	stream.linear.gather [hbm4b:s7+s4], $0x500, $0x38;
	[tilespmem:$0x1D000] =	vst v63  }
0x80: {  	s16 =	smov.u32 s6;
	_ =	swait.ge [sflag:s11], $0x500  }
0x81: {  	s10 =	sadd.s32 $0x100, s6;
	s7 =	rddreg [dreg:$0x4];
	[sflag:s11] =	ssyncset.done $0x0  }
0x82: {  	p0 =	sne.s32 s6, $0x700;
	[sflag:s11] =	ssyncadd.s32 $0xFFFFFB00;
	s6 =	sadd.s32 s8, s7  }
0x83: {  	[tilespmem:s12], [sflag:$0x2] =	stream.linear.gather [hbm4b:s6+s4], $0x500, $0x38;
	[tilespmem:$0x1D000] =	vst v63  }
0x84: {  	_ =	swait.ge [sflag:s11], $0x500  }
0x85: {  	[sflag:s11] =	ssyncset.done $0x0  }
0x86: {  	[sflag:s11] =	ssyncadd.s32 $0xFFFFFB00  }
0x87: {  	[tilespmem:s14], [sflag:$0x1] =	stream.indirect.gather [hbm4b:s1+s13], $0x80, s12, s13, $0xb8;
	[tilespmem:$0x1D000] =	vst v63  }
0x88: {  	_ =	swait.ge [sflag:s15], $0x4000  }
0x89: {  	[sflag:s15] =	ssyncset.done $0x0  }
0x8a: {  	s8 =	smov.u32 s16;
	s16 =	simm.s32 $0x880;
	[sflag:s15] =	ssyncadd.s32 $0xFFFFC000  }
0x8b: {  	[tilespmem:s17], [sflag:$0x1] =	stream.indirect.gather [hbm4b:s1+s13], $0x80, s16, s13, $0xb8;
	[tilespmem:$0x1D000] =	vst v63  }
0x8c: {  	_ = 	snop  }
0x8d: {  	[spmem:s2] =	stream.indirect.scatter.add.f32 [tilespmem:s14], [sflag:$0x2], $0x80, s4, s13, $0xb8;
	[tilespmem:$0x1D000] =	vst v63  }
0x8e: {  	_ =	swait.ge [sflag:s11], $0x4000  }
0x8f: {  	[sflag:s11] =	ssyncset.done $0x0  }
0x90: {  	[sflag:s11] =	ssyncadd.s32 $0xFFFFC000  }
0x91: {  	_ =	swait.ge [sflag:s15], $0x4000  }
0x92: {  	[sflag:s15] =	ssyncset.done $0x0  }
0x93: {  	[sflag:s15] =	ssyncadd.s32 $0xFFFFC000  }
0x94: {  	[tilespmem:s14], [sflag:$0x1] =	stream.indirect.gather [hbm4b:s1+s13], $0x80, s18, s13, $0xb8;
	[tilespmem:$0x1D000] =	vst v63  }
0x95: {  	_ = 	snop  }
0x96: {  	[spmem:s2] =	stream.indirect.scatter.add.f32 [tilespmem:s17], [sflag:$0x2], $0x80, s13, s13, $0xb8;
	[tilespmem:$0x1D000] =	vst v63  }
0x97: {  	_ =	swait.ge [sflag:s11], $0x4000  }
0x98: {  	[sflag:s11] =	ssyncset.done $0x0  }
0x99: {  	[sflag:s11] =	ssyncadd.s32 $0xFFFFC000  }
0x9a: {  	_ =	swait.ge [sflag:s15], $0x4000  }
0x9b: {  	[sflag:s15] =	ssyncset.done $0x0  }
0x9c: {  	[sflag:s15] =	ssyncadd.s32 $0xFFFFC000  }
0x9d: {  	[tilespmem:s17], [sflag:$0x1] =	stream.indirect.gather [hbm4b:s1+s13], $0x80, s19, s13, $0xb8;
	[tilespmem:$0x1D000] =	vst v63  }
0x9e: {  	_ = 	snop  }
0x9f: {  	[spmem:s2] =	stream.indirect.scatter.add.f32 [tilespmem:s14], [sflag:$0x2], $0x80, s20, s13, $0xb8;
	[tilespmem:$0x1D000] =	vst v63  }
0xa0: {  	_ =	swait.ge [sflag:s11], $0x4000  }
0xa1: {  	[sflag:s11] =	ssyncset.done $0x0  }
0xa2: {  	[sflag:s11] =	ssyncadd.s32 $0xFFFFC000  }
0xa3: {  	_ =	swait.ge [sflag:s15], $0x4000  }
0xa4: {  	[sflag:s15] =	ssyncset.done $0x0  }
0xa5: {  	[sflag:s15] =	ssyncadd.s32 $0xFFFFC000  }
0xa6: {  	[tilespmem:s14], [sflag:$0x1] =	stream.indirect.gather [hbm4b:s1+s13], $0x80, s21, s13, $0xb8;
	[tilespmem:$0x1D000] =	vst v63  }
0xa7: {  	_ = 	snop  }
0xa8: {  	[spmem:s2] =	stream.indirect.scatter.add.f32 [tilespmem:s17], [sflag:$0x2], $0x80, s22, s13, $0xb8;
	[tilespmem:$0x1D000] =	vst v63  }
0xa9: {  	_ =	swait.ge [sflag:s11], $0x4000  }
0xaa: {  	[sflag:s11] =	ssyncset.done $0x0  }
0xab: {  	[sflag:s11] =	ssyncadd.s32 $0xFFFFC000  }
0xac: {  	_ =	swait.ge [sflag:s15], $0x4000  }
0xad: {  	[sflag:s15] =	ssyncset.done $0x0  }
0xae: {  	[sflag:s15] =	ssyncadd.s32 $0xFFFFC000  }
0xaf: {  	[tilespmem:s17], [sflag:$0x1] =	stream.indirect.gather [hbm4b:s1+s13], $0x80, s23, s13, $0xb8;
	[tilespmem:$0x1D000] =	vst v63  }
0xb0: {  	_ = 	snop  }
0xb1: {  	[spmem:s2] =	stream.indirect.scatter.add.f32 [tilespmem:s14], [sflag:$0x2], $0x80, s24, s13, $0xb8;
	[tilespmem:$0x1D000] =	vst v63  }
0xb2: {  	_ =	swait.ge [sflag:s11], $0x4000  }
0xb3: {  	[sflag:s11] =	ssyncset.done $0x0  }
0xb4: {  	[sflag:s11] =	ssyncadd.s32 $0xFFFFC000  }
0xb5: {  	_ =	swait.ge [sflag:s15], $0x4000  }
0xb6: {  	[sflag:s15] =	ssyncset.done $0x0  }
0xb7: {  	[sflag:s15] =	ssyncadd.s32 $0xFFFFC000  }
0xb8: {  	[tilespmem:s14], [sflag:$0x1] =	stream.indirect.gather [hbm4b:s1+s13], $0x80, s25, s13, $0xb8;
	[tilespmem:$0x1D000] =	vst v63  }
0xb9: {  	_ = 	snop  }
0xba: {  	[spmem:s2] =	stream.indirect.scatter.add.f32 [tilespmem:s17], [sflag:$0x2], $0x80, s26, s13, $0xb8;
	[tilespmem:$0x1D000] =	vst v63  }
0xbb: {  	_ =	swait.ge [sflag:s11], $0x4000  }
0xbc: {  	[sflag:s11] =	ssyncset.done $0x0  }
0xbd: {  	[sflag:s11] =	ssyncadd.s32 $0xFFFFC000  }
0xbe: {  	_ =	swait.ge [sflag:s15], $0x4000  }
0xbf: {  	[sflag:s15] =	ssyncset.done $0x0  }
0xc0: {  	[sflag:s15] =	ssyncadd.s32 $0xFFFFC000  }
0xc1: {  	[tilespmem:s17], [sflag:$0x1] =	stream.indirect.gather [hbm4b:s1+s13], $0x80, s28, s13, $0xb8;
	[tilespmem:$0x1D000] =	vst v63  }
0xc2: {  	_ = 	snop  }
0xc3: {  	[spmem:s2] =	stream.indirect.scatter.add.f32 [tilespmem:s14], [sflag:$0x2], $0x80, s29, s13, $0xb8;
	[tilespmem:$0x1D000] =	vst v63  }
0xc4: {  	_ =	swait.ge [sflag:s11], $0x4000  }
0xc5: {  	[sflag:s11] =	ssyncset.done $0x0  }
0xc6: {  	[sflag:s11] =	ssyncadd.s32 $0xFFFFC000  }
0xc7: {  	_ =	swait.ge [sflag:s15], $0x4000  }
0xc8: {  	[sflag:s15] =	ssyncset.done $0x0  }
0xc9: {  	[sflag:s15] =	ssyncadd.s32 $0xFFFFC000  }
0xca: {  	[tilespmem:s14], [sflag:$0x1] =	stream.indirect.gather [hbm4b:s1+s13], $0x80, s30, s13, $0xb8;
	[tilespmem:$0x1D000] =	vst v63  }
0xcb: {  	_ = 	snop  }
0xcc: {  	[spmem:s2] =	stream.indirect.scatter.add.f32 [tilespmem:s17], [sflag:$0x2], $0x80, s31, s13, $0xb8;
	[tilespmem:$0x1D000] =	vst v63  }
0xcd: {  	_ =	swait.ge [sflag:s11], $0x4000  }
0xce: {  	[sflag:s11] =	ssyncset.done $0x0  }
0xcf: {  	[sflag:s11] =	ssyncadd.s32 $0xFFFFC000  }
0xd0: {  	_ =	swait.ge [sflag:s15], $0x4000  }
0xd1: {  	[sflag:s15] =	ssyncset.done $0x0  }
0xd2: {  	[sflag:s15] =	ssyncadd.s32 $0xFFFFC000  }
0xd3: {  	[tilespmem:s17], [sflag:$0x1] =	stream.indirect.gather [hbm4b:s1+s13], $0x80, s0, s13, $0xb8;
	[tilespmem:$0x1D000] =	vst v63  }
0xd4: {  	_ = 	snop  }
0xd5: {  	[spmem:s2] =	stream.indirect.scatter.add.f32 [tilespmem:s14], [sflag:$0x2], $0x80, s3, s13, $0xb8;
	[tilespmem:$0x1D000] =	vst v63  }
0xd6: {  	_ =	swait.ge [sflag:s11], $0x4000  }
0xd7: {  	[sflag:s11] =	ssyncset.done $0x0  }
0xd8: {  	[sflag:s11] =	ssyncadd.s32 $0xFFFFC000  }
0xd9: {  	_ =	swait.ge [sflag:s15], $0x4000  }
.Ltmp0:
0xda: {  	[sflag:s15] =	ssyncset.done $0x0;
	(pc) =	sbr.rel @p0 .LBB2_2-.Ltmp0, $4  }
0xdb: {  	[sflag:s15] =	ssyncadd.s32 $0xFFFFC000  }
0xdc: {  	[spmem:s2] =	stream.indirect.scatter.add.f32 [tilespmem:s17], [sflag:$0x2], $0x80, s5, s13, $0xb8;
	[tilespmem:$0x1D000] =	vst v63  }
0xdd: {  	_ =	swait.ge [sflag:s11], $0x4000  }
0xde: {  	s6 =	smov.u32 s10;
	[sflag:s11] =	ssyncset.done $0x0  }
0xdf: {  	s6 =	sadd.s32 s8, s9;
	[sflag:s11] =	ssyncadd.s32 $0xFFFFC000  }
0xe0: {  	[tilespmem:s4], [sflag:$0x2] =	stream.linear.gather [hbm4b:s6+s4], $0x500, $0x38;
	[tilespmem:$0x1D000] =	vst v63  }
0xe1: {  	_ =	swait.ge [sflag:s11], $0x500  }
0xe2: {  	s7 =	rddreg [dreg:$0x4];
	[sflag:s11] =	ssyncset.done $0x0  }
0xe3: {  	s6 =	sadd.s32 s8, s7;
	[sflag:s11] =	ssyncadd.s32 $0xFFFFFB00  }
0xe4: {  	[tilespmem:s12], [sflag:$0x2] =	stream.linear.gather [hbm4b:s6+s4], $0x500, $0x38;
	[tilespmem:$0x1D000] =	vst v63  }
0xe5: {  	_ =	swait.ge [sflag:s11], $0x500  }
0xe6: {  	[sflag:s11] =	ssyncset.done $0x0  }
0xe7: {  	[sflag:s11] =	ssyncadd.s32 $0xFFFFFB00  }
0xe8: {  	[tilespmem:s14], [sflag:$0x1] =	stream.indirect.gather [hbm4b:s1+s13], $0x80, s12, s13, $0xb8;
	[tilespmem:$0x1D000] =	vst v63  }
0xe9: {  	_ =	swait.ge [sflag:s15], $0x4000  }
0xea: {  	[sflag:s15] =	ssyncset.done $0x0  }
0xeb: {  	s10 =	simm.s32 $0x880;
	[sflag:s15] =	ssyncadd.s32 $0xFFFFC000  }
0xec: {  	[tilespmem:s17], [sflag:$0x1] =	stream.indirect.gather [hbm4b:s1+s13], $0x80, s10, s13, $0xb8;
	[tilespmem:$0x1D000] =	vst v63  }
0xed: {  	_ = 	snop  }
0xee: {  	[spmem:s2] =	stream.indirect.scatter.add.f32 [tilespmem:s14], [sflag:$0x2], $0x80, s4, s13, $0xb8;
	[tilespmem:$0x1D000] =	vst v63  }
0xef: {  	_ =	swait.ge [sflag:s11], $0x4000  }
0xf0: {  	[sflag:s11] =	ssyncset.done $0x0  }
0xf1: {  	[sflag:s11] =	ssyncadd.s32 $0xFFFFC000  }
0xf2: {  	_ =	swait.ge [sflag:s15], $0x4000  }
0xf3: {  	[sflag:s15] =	ssyncset.done $0x0  }
0xf4: {  	[sflag:s15] =	ssyncadd.s32 $0xFFFFC000  }
0xf5: {  	[tilespmem:s14], [sflag:$0x1] =	stream.indirect.gather [hbm4b:s1+s13], $0x80, s18, s13, $0xb8;
	[tilespmem:$0x1D000] =	vst v63  }
0xf6: {  	_ = 	snop  }
0xf7: {  	[spmem:s2] =	stream.indirect.scatter.add.f32 [tilespmem:s17], [sflag:$0x2], $0x80, s13, s13, $0xb8;
	[tilespmem:$0x1D000] =	vst v63  }
0xf8: {  	_ =	swait.ge [sflag:s11], $0x4000  }
0xf9: {  	[sflag:s11] =	ssyncset.done $0x0  }
0xfa: {  	[sflag:s11] =	ssyncadd.s32 $0xFFFFC000  }
0xfb: {  	_ =	swait.ge [sflag:s15], $0x4000  }
0xfc: {  	[sflag:s15] =	ssyncset.done $0x0  }
0xfd: {  	[sflag:s15] =	ssyncadd.s32 $0xFFFFC000  }
0xfe: {  	[tilespmem:s17], [sflag:$0x1] =	stream.indirect.gather [hbm4b:s1+s13], $0x80, s19, s13, $0xb8;
	[tilespmem:$0x1D000] =	vst v63  }
0xff: {  	_ = 	snop  }
0x100: {  	[spmem:s2] =	stream.indirect.scatter.add.f32 [tilespmem:s14], [sflag:$0x2], $0x80, s20, s13, $0xb8;
	[tilespmem:$0x1D000] =	vst v63  }
0x101: {  	_ =	swait.ge [sflag:s11], $0x4000  }
0x102: {  	[sflag:s11] =	ssyncset.done $0x0  }
0x103: {  	[sflag:s11] =	ssyncadd.s32 $0xFFFFC000  }
0x104: {  	_ =	swait.ge [sflag:s15], $0x4000  }
0x105: {  	[sflag:s15] =	ssyncset.done $0x0  }
0x106: {  	[sflag:s15] =	ssyncadd.s32 $0xFFFFC000  }
0x107: {  	[tilespmem:s14], [sflag:$0x1] =	stream.indirect.gather [hbm4b:s1+s13], $0x80, s21, s13, $0xb8;
	[tilespmem:$0x1D000] =	vst v63  }
0x108: {  	_ = 	snop  }
0x109: {  	[spmem:s2] =	stream.indirect.scatter.add.f32 [tilespmem:s17], [sflag:$0x2], $0x80, s22, s13, $0xb8;
	[tilespmem:$0x1D000] =	vst v63  }
0x10a: {  	_ =	swait.ge [sflag:s11], $0x4000  }
0x10b: {  	[sflag:s11] =	ssyncset.done $0x0  }
0x10c: {  	[sflag:s11] =	ssyncadd.s32 $0xFFFFC000  }
0x10d: {  	_ =	swait.ge [sflag:s15], $0x4000  }
0x10e: {  	[sflag:s15] =	ssyncset.done $0x0  }
0x10f: {  	[sflag:s15] =	ssyncadd.s32 $0xFFFFC000  }
0x110: {  	[tilespmem:s17], [sflag:$0x1] =	stream.indirect.gather [hbm4b:s1+s13], $0x80, s23, s13, $0xb8;
	[tilespmem:$0x1D000] =	vst v63  }
0x111: {  	_ = 	snop  }
0x112: {  	[spmem:s2] =	stream.indirect.scatter.add.f32 [tilespmem:s14], [sflag:$0x2], $0x80, s24, s13, $0xb8;
	[tilespmem:$0x1D000] =	vst v63  }
0x113: {  	_ =	swait.ge [sflag:s11], $0x4000  }
0x114: {  	[sflag:s11] =	ssyncset.done $0x0  }
0x115: {  	[sflag:s11] =	ssyncadd.s32 $0xFFFFC000  }
0x116: {  	_ =	swait.ge [sflag:s15], $0x4000  }
0x117: {  	[sflag:s15] =	ssyncset.done $0x0  }
0x118: {  	[sflag:s15] =	ssyncadd.s32 $0xFFFFC000  }
0x119: {  	[tilespmem:s14], [sflag:$0x1] =	stream.indirect.gather [hbm4b:s1+s13], $0x80, s25, s13, $0xb8;
	[tilespmem:$0x1D000] =	vst v63  }
0x11a: {  	_ = 	snop  }
0x11b: {  	[spmem:s2] =	stream.indirect.scatter.add.f32 [tilespmem:s17], [sflag:$0x2], $0x80, s26, s13, $0xb8;
	[tilespmem:$0x1D000] =	vst v63  }
0x11c: {  	_ =	swait.ge [sflag:s11], $0x4000  }
0x11d: {  	[sflag:s11] =	ssyncset.done $0x0  }
0x11e: {  	[sflag:s11] =	ssyncadd.s32 $0xFFFFC000  }
0x11f: {  	_ =	swait.ge [sflag:s15], $0x4000  }
0x120: {  	[sflag:s15] =	ssyncset.done $0x0  }
0x121: {  	[sflag:s15] =	ssyncadd.s32 $0xFFFFC000  }
0x122: {  	[tilespmem:s17], [sflag:$0x1] =	stream.indirect.gather [hbm4b:s1+s13], $0x80, s28, s13, $0xb8;
	[tilespmem:$0x1D000] =	vst v63  }
0x123: {  	_ = 	snop  }
0x124: {  	[spmem:s2] =	stream.indirect.scatter.add.f32 [tilespmem:s14], [sflag:$0x2], $0x80, s29, s13, $0xb8;
	[tilespmem:$0x1D000] =	vst v63  }
0x125: {  	_ =	swait.ge [sflag:s11], $0x4000  }
0x126: {  	[sflag:s11] =	ssyncset.done $0x0  }
0x127: {  	[sflag:s11] =	ssyncadd.s32 $0xFFFFC000  }
0x128: {  	_ =	swait.ge [sflag:s15], $0x4000  }
0x129: {  	[sflag:s15] =	ssyncset.done $0x0  }
0x12a: {  	[sflag:s15] =	ssyncadd.s32 $0xFFFFC000  }
0x12b: {  	[tilespmem:s14], [sflag:$0x1] =	stream.indirect.gather [hbm4b:s1+s13], $0x80, s30, s13, $0xb8;
	[tilespmem:$0x1D000] =	vst v63  }
0x12c: {  	_ = 	snop  }
0x12d: {  	[spmem:s2] =	stream.indirect.scatter.add.f32 [tilespmem:s17], [sflag:$0x2], $0x80, s31, s13, $0xb8;
	[tilespmem:$0x1D000] =	vst v63  }
0x12e: {  	_ =	swait.ge [sflag:s11], $0x4000  }
0x12f: {  	[sflag:s11] =	ssyncset.done $0x0  }
0x130: {  	[sflag:s11] =	ssyncadd.s32 $0xFFFFC000  }
0x131: {  	_ =	swait.ge [sflag:s15], $0x4000  }
0x132: {  	[sflag:s15] =	ssyncset.done $0x0  }
0x133: {  	[sflag:s15] =	ssyncadd.s32 $0xFFFFC000  }
0x134: {  	[tilespmem:s17], [sflag:$0x1] =	stream.indirect.gather [hbm4b:s1+s13], $0x80, s0, s13, $0xb8;
	[tilespmem:$0x1D000] =	vst v63  }
0x135: {  	_ = 	snop  }
0x136: {  	[spmem:s2] =	stream.indirect.scatter.add.f32 [tilespmem:s14], [sflag:$0x2], $0x80, s3, s13, $0xb8;
	[tilespmem:$0x1D000] =	vst v63  }
0x137: {  	_ =	swait.ge [sflag:s11], $0x4000  }
0x138: {  	[sflag:s11] =	ssyncset.done $0x0  }
0x139: {  	[sflag:s11] =	ssyncadd.s32 $0xFFFFC000  }
0x13a: {  	_ =	swait.ge [sflag:s15], $0x4000  }
0x13b: {  	[sflag:s15] =	ssyncset.done $0x0  }
0x13c: {  	[sflag:s15] =	ssyncadd.s32 $0xFFFFC000  }
0x13d: {  	[spmem:s2] =	stream.indirect.scatter.add.f32 [tilespmem:s17], [sflag:$0x2], $0x80, s5, s13, $0xb8;
	[tilespmem:$0x1D000] =	vst v63  }
0x13e: {  	_ =	swait.ge [sflag:s11], $0x4000  }
0x13f: {  	[sflag:s11] =	ssyncset.done $0x0  }
0x140: {  	[sflag:s11] =	ssyncadd.s32 $0xFFFFC000  }
0x141: {  	[bflag:$0x0] =	sbarrier.arrive $0xFFFF  }
0x142: {  	s10 =	rddreg [dreg:$0x6]  }
0x143: {  	s16 =	rddreg [dreg:$0x7]  }
0x144: {  	s7 =	rddreg [dreg:$0x9]  }
0x145: {  	[hbm:s16], [sflag:s10] =	dma.local [spmem:s7], $0x2800  }
0x146: {  	_ =	swait.ge [sflag:s11], $0x2800  }
0x147: {  	s6 =	rddreg [dreg:$0xa]  }
0x148: {  	s16 =	rddreg [dreg:$0x8];
	s8 =	sadd.s32 $0x1, s6  }
0x149: {  	p0 =	sne.s32 s8, s16  }
.Ltmp1:
0x14a: {  	_ = 	snop;
	(pc) =	sbr.rel @p0 .LBB2_1-.Ltmp1, $3  }
0x14b: {  	_ =	sdelay $0x1  }
0x14c: {  	[sflag:s11] =	ssyncset.done $0x0  }
0x14d: {  	[sflag:s11] =	ssyncadd.s32 $0xFFFFD800  }
0x14e: {  	_ =	sfence.sel $0x180000  }
0x14f: {  	[bflag:$0x0] =	sbarrier.arrive $0xFFFF  }
0x150: {  	_ =	strace $0x9000004D  }
0x151: {  	s0 =	stileid.u32;
	[bflag:$0x2] =	sbarrier.arrive $0xFFFF  }
0x152: {  	p0 =	sne.s32 s0, $0x0;
	s0 =	rddreg [dreg:$0x3]  }
0x153: {  	s0 =	sadd.s32 @!p0 $0x100000, s0  }
0x154: {  	[sflag:s0] =	ssyncadd.tile.s32 @!p0 $0x1;
	_ =	shalt  }
.Lfunc_end2:
_tile_overlayer_lowered:
.L_overlay_start_2:
0x155: {  	(tag) =	ssettag $0x2  }
0x156: {  	s0 =	rddreg [dreg:$0x0];
	s2 =	stileid.u32  }
0x157: {  	s1 =	rddreg [dreg:$0x1];
	p0 =	sne.s32 s2, $0x0  }
0x158: {  	s3 =	rddreg [dreg:$0x2];
	[bflag:$0x3] =	sbarrier.arrive $0xFFFF;
	s2 =	simm.s32 @!p0 $0x1C02  }
0x159: {  	[timem:s3], [sflag:s2] =	dma.local @!p0 [hbm:s0], s1  }
0x15a: {  	s0 =	simm.s32 @!p0 $0x2  }
0x15b: {  	_ =	swait.ge @!p0 [sflag:s0], s1  }
0x15c: {  	s1 =	ssub.s32 @!p0 $0x0, s1;
	[sflag:s0] =	ssyncset.done @!p0 $0x0  }
0x15d: {  	[sflag:s0] =	ssyncadd.s32 @!p0 s1  }
0x15e: {  	[bflag:$0x3] =	sbarrier.arrive $0xFFFF  }
0x15f: {  	_ =	shalt  }

// kernel: kernel.9.cloned.1.call-start
scs
__scs_entry_jumppad:
0x0: {  	(pc) =	sbr.rel $0x88, $3  }
0x1: {  	(tag) =	ssettag $0x0;
	lr =	simm.s32 $0x1  }
0x2: {  	[smem:$0x3F9C] =	sst lr;
	_ =	strace $0xD0000000  }
0x3: {  	_ = 	snop  }
0x4: {  	_ = 	snop  }
0x5: {  	_ = 	snop  }
0x6: {  	_ = 	snop  }
0x7: {  	_ = 	snop  }
__scs_overlays_trampoline_lowered:
0x8: {  	[smem:$0x3FAB] =	sst s0  }
0x9: {  	[smem:$0x3FAC] =	sst s1  }
0xa: {  	[smem:$0x3FAD] =	sst s2  }
0xb: {  	[smem:$0x3FAE] =	sst s3  }
0xc: {  	[smem:$0x3FAF] =	sst s4  }
0xd: {  	[smem:$0x3FB0] =	sst s5  }
0xe: {  	[smem:$0x3FB1] =	sst s6  }
0xf: {  	[smem:$0x3FB2] =	sst s7  }
0x10: {  	[smem:$0x3FB3] =	sst s8  }
0x11: {  	[smem:$0x3FB4] =	sst s9;
	s0 =	simm.s32 @!p0 $0x0  }
0x12: {  	s1 =	sld [smem:$0x3F9A];
	s0 =	simm.s32 @p0 $0x1  }
0x13: {  	[smem:$0x3FB5] =	sst s0;
	s0 =	simm.s32 @!p1 $0x0  }
0x14: {  	s2 =	sld [smem:$0x3F99];
	s0 =	simm.s32 @p1 $0x1  }
0x15: {  	[smem:$0x3FB6] =	sst s0;
	s0 =	simm.s32 @!p2 $0x0  }
0x16: {  	s3 =	sld [smem:$0x3FDB];
	s0 =	simm.s32 @p2 $0x1  }
0x17: {  	s4 =	simm.s32 $0x1BF5;
	[smem:$0x3FB8] =	sst s0  }
0x18: {  	s0 =	sld [smem:$0x3F9B];
	_ =	swait.ge [sflag:s4], $0x0  }
0x19: {  	s7 =	sld [smem:$0x3F9C]  }
0x1a: {  	s8 =	sadd.s32 $0xFFFFE003, lr  }
0x1b: {  	s9 =	sadd.s32 $0xFFFFFEF7, lr;
	s5 =	simm.s32 $0xFFFFFFFF;
	p2 =	slt.u32 s8, $0xFFFFF086  }
0x1c: {  	p1 =	slt.u32 s9, $0xF7A;
	s5 =	simm.s32 @!p2 $0x0  }
0x1d: {  	s5 =	simm.s32 @p1 $0x1;
	p0 =	seq.s32 s7, s2  }
0x1e: {  	s7 =	smul.u32 @!p0 $0xF7A, s2;
	p2 =	seq.s32 @!p0 s5, $0x0  }
0x1f: {  	s9 =	smul.u32 $0xF7A, s1;
	s8 =	simm.s32 @!p0 $0x1BF5;
	p2 =	por !p2, p0  }
0x20: {  	[sflag:s8] =	ssyncset.s32 @!p0 $0xFFFFF086;
	s6 =	sadd.s32 @!p0 s3, s7;
	s7 =	simm.s32 @!p0 $0x108  }
0x21: {  	s3 =	sadd.s32 s3, s9;
	s6 =	sadd.s32 @!p0 $0x88, s6;
	s7 =	simm.s32 @p2 $0x1082  }
0x22: {  	[simem:s7], [sflag:s8] =	dma.local @!p0 [hbm:s6], $0xF7A  }
0x23: {  	s9 =	sor.u32 $0xD0000000, s2;
	s6 =	simm.s32 $0x108;
	_ =	swait.ge @!p0 [sflag:s8], $0x0  }
0x24: {  	s3 =	sadd.s32 $0x88, s3;
	s6 =	simm.s32 @!p1 $0x1082;
	[sflag:s4] =	ssyncset.s32 $0xFFFFF086  }
0x25: {  	[simem:s6], [sflag:s4] =	dma.local [hbm:s3], $0xF7A  }
0x26: {  	[smem:$0x3F9C] =	sst s1;
	(tag) =	ssettag s2;
	_ =	strace s9  }
0x27: {  	s1 =	sld [smem:$0x3FAC]  }
0x28: {  	s2 =	sld [smem:$0x3FAD]  }
0x29: {  	s4 =	sld [smem:$0x3FAF]  }
0x2a: {  	p0 =	seq.s32 s5, $0x0;
	s5 =	sld [smem:$0x3FB0]  }
0x2b: {  	s6 =	sld [smem:$0x3FB1]  }
0x2c: {  	s7 =	sld [smem:$0x3FB2]  }
0x2d: {  	s3 =	simm.s32 $0x108;
	s8 =	sld [smem:$0x3FB3]  }
0x2e: {  	s3 =	simm.s32 @!p0 $0x1082;
	s9 =	sld [smem:$0x3FB4]  }
0x2f: {  	lr =	sadd.s32 s0, s3;
	s0 =	sld [smem:$0x3FAB]  }
0x30: {  	s3 =	sld [smem:$0x3FAE]  }
0x31: {  	[smem:$0x3FB7] =	sst s10  }
0x32: {  	s10 =	sld [smem:$0x3FB5];
	_ =	sdelay $0x3  }
0x33: {  	p0 =	seq.s32 s10, $0x1;
	s10 =	sld [smem:$0x3FB7];
	_ =	sdelay $0x3  }
0x34: {  	[smem:$0x3FB7] =	sst s10  }
0x35: {  	s10 =	sld [smem:$0x3FB6];
	_ =	sdelay $0x3  }
0x36: {  	p1 =	seq.s32 s10, $0x1;
	s10 =	sld [smem:$0x3FB7];
	_ =	sdelay $0x3  }
0x37: {  	[smem:$0x3FB7] =	sst s10  }
0x38: {  	s10 =	sld [smem:$0x3FB8]  }
0x39: {  	_ = 	snop;
	(pc) =	sbr.ind lr, $3  }
0x3a: {  	_ = 	snop  }
0x3b: {  	_ = 	snop  }
0x3c: {  	p2 =	seq.s32 s10, $0x1;
	s10 =	sld [smem:$0x3FB7]  }
0x3d: {  	_ =	shalt  }
0x3e: {  	_ =	shalt  }
0x3f: {  	_ =	shalt  }
0x40: {  	_ =	shalt  }
0x41: {  	_ =	shalt  }
0x42: {  	_ =	shalt  }
0x43: {  	_ =	shalt  }
0x44: {  	_ =	shalt  }
0x45: {  	_ =	shalt  }
0x46: {  	_ =	shalt  }
0x47: {  	_ =	shalt  }
0x48: {  	_ =	shalt  }
0x49: {  	_ =	shalt  }
0x4a: {  	_ =	shalt  }
0x4b: {  	_ =	shalt  }
0x4c: {  	_ =	shalt  }
0x4d: {  	_ =	shalt  }
0x4e: {  	_ =	shalt  }
0x4f: {  	_ =	shalt  }
0x50: {  	_ =	shalt  }
0x51: {  	_ =	shalt  }
0x52: {  	_ =	shalt  }
0x53: {  	_ =	shalt  }
0x54: {  	_ =	shalt  }
0x55: {  	_ =	shalt  }
0x56: {  	_ =	shalt  }
0x57: {  	_ =	shalt  }
0x58: {  	_ =	shalt  }
0x59: {  	_ =	shalt  }
0x5a: {  	_ =	shalt  }
0x5b: {  	_ =	shalt  }
0x5c: {  	_ =	shalt  }
0x5d: {  	_ =	shalt  }
0x5e: {  	_ =	shalt  }
0x5f: {  	_ =	shalt  }
0x60: {  	_ =	shalt  }
0x61: {  	_ =	shalt  }
0x62: {  	_ =	shalt  }
0x63: {  	_ =	shalt  }
0x64: {  	_ =	shalt  }
0x65: {  	_ =	shalt  }
0x66: {  	_ =	shalt  }
0x67: {  	_ =	shalt  }
0x68: {  	_ =	shalt  }
0x69: {  	_ =	shalt  }
0x6a: {  	_ =	shalt  }
0x6b: {  	_ =	shalt  }
0x6c: {  	_ =	shalt  }
0x6d: {  	_ =	shalt  }
0x6e: {  	_ =	shalt  }
0x6f: {  	_ =	shalt  }
0x70: {  	_ =	shalt  }
0x71: {  	_ =	shalt  }
0x72: {  	_ =	shalt  }
0x73: {  	_ =	shalt  }
0x74: {  	_ =	shalt  }
0x75: {  	_ =	shalt  }
0x76: {  	_ =	shalt  }
0x77: {  	_ =	shalt  }
0x78: {  	_ =	shalt  }
0x79: {  	_ =	shalt  }
0x7a: {  	_ =	shalt  }
0x7b: {  	_ =	shalt  }
0x7c: {  	_ =	shalt  }
0x7d: {  	_ =	shalt  }
0x7e: {  	_ =	shalt  }
0x7f: {  	_ =	shalt  }
0x80: {  	_ =	shalt  }
0x81: {  	_ =	shalt  }
0x82: {  	_ =	shalt  }
0x83: {  	_ =	shalt  }
0x84: {  	_ =	shalt  }
0x85: {  	_ =	shalt  }
0x86: {  	_ =	shalt  }
0x87: {  	_ =	shalt  }
.Lfunc_end0:
.L_simem_size_0:
called_computation_lowered:
.L_overlay_start_0:
0x88: {  	s2 =	sld [smem:$0x3FD9]  }
0x89: {  	s3 =	sld [smem:$0x3FFE];
	_ =	sdelay $0x1  }
0x8a: {  	s1 =	srdreg.scid  }
0x8b: {  	s0 =	sand.u32 $0x1, s1  }
0x8c: {  	s16 =	sshll.u32 s0, $0xA;
	s2 =	sadd.s32 s3, s2  }
0x8d: {  	s2 =	sadd.s32 s2, s16  }
0x8e: {  	[smem:$0x3FC3] =	sst s2  }
0x8f: {  	_ = 	snop  }
0x90: {  	(tm) =	ssettm $0x1  }
0x91: {  	s17 =	sld [smem:$0x3FFB];
	_ =	sdelay $0x3  }
0x92: {  	_ =	strace s17  }
0x93: {  	s2 =	sld [smem:$0x3FFC];
	_ =	sdelay $0x3  }
0x94: {  	_ =	strace s2  }
0x95: {  	s2 =	sld [smem:$0x3FFD];
	_ =	sdelay $0x3  }
0x96: {  	_ =	strace s2  }
0x97: {  	_ =	strace $0x8FFFFFFF  }
0x98: {  	s18 =	sld [smem:$0x3FDB];
	_ =	sdelay $0x1  }
0x99: {  	s19 =	simm.s32 $_scs_section_size  }
0x9a: {  	s4 =	simm.s32 $_size__tile_overlayer_lowered;
	s5 =	simm.s32 $_tile_overlayer_lowered  }
0x9b: {  	s22 =	simm.s32 $0x1BFF;
	s21 =	sshll.u32 s5, $0x1;
	s2 =	sadd.s32 s19, s18  }
0x9c: {  	s6 =	simm.s32 $0x0;
	s20 =	sshll.u32 s4, $0x1;
	s4 =	sadd.s32 s21, s2  }
0x9d: {  	[timem:s6], [sflag:s22] =	dma.local [hbm:s4], s20  }
0x9e: {  	_ =	swait.ge [sflag:s22], s20  }
0x9f: {  	s3 =	ssub.s32 $0x0, s20;
	[sflag:s22] =	ssyncset.done $0x0  }
0xa0: {  	[sflag:s22] =	ssyncadd.s32 s3;
	_ =	sdelay $0x1  }
0xa1: {  	s23 =	simm.s32 $0x1B8B  }
0xa2: {  	_ =	swait.ge [sflag:s23], $0x1  }
0xa3: {  	[sflag:s23] =	ssyncset.done $0x0  }
0xa4: {  	s25 =	simm.s32 $0x1B8E;
	s24 =	sld [smem:$0x3FFE];
	[sflag:s23] =	ssyncadd.s32 $0xFFFFFFFF  }
0xa5: {  	s26 =	simm.s32 $execute0_lowered;
	[smem:$0x3FD2] =	sst s25  }
0xa6: {  	s4 =	sshll.u32 s26, $0x1;
	_ =	strace $0x80000046;
	[dreg:$0x1] =	wrdreg $0xFFFFFFFF  }
0xa7: {  	s28 =	simm.s32 $_size_execute0_lowered;
	s2 =	sadd.s32 s2, s4;
	[dreg:$0x0] =	wrdreg $0x0  }
0xa8: {  	s4 =	sshll.u32 s28, $0x1;
	[dreg:$0x2] =	wrdreg s2  }
0xa9: {  	[dreg:$0x3] =	wrdreg s4  }
0xaa: {  	[dreg:$0x4] =	wrdreg $0xC0  }
0xab: {  	_ =	task [dreg:s6], $0x5FFFF  }
0xac: {  	[dreg:$0x1] =	wrdreg $0xFFFFFFFF  }
0xad: {  	[dreg:$0x0] =	wrdreg $0x60  }
0xae: {  	[dreg:$0x2] =	wrdreg s24  }
0xaf: {  	[dreg:$0x3] =	wrdreg $0x50800  }
0xb0: {  	[dreg:$0x4] =	wrdreg $0x53000  }
0xb1: {  	[dreg:$0x5] =	wrdreg $0x9  }
0xb2: {  	_ =	task.clear_ibuf [dreg:s6], $0x6FFFF;
	_ =	strace $0x90000046  }
0xb3: {  	s29 =	simm.s32 $0x9;
	_ =	strace $0x80000048  }
0xb4: {  	_ =	swait.ge [sflag:s29], $0x1  }
0xb5: {  	[sflag:s29] =	ssyncadd.s32 $0xFFFFFFFF  }
0xb6: {  	_ =	strace $0x90000048  }
0xb7: {  	_ =	sfence  }
0xb8: {  	s30 =	sld [smem:$0x0];
	_ =	sdelay $0x2  }
0xb9: {  	s31 =	sshll.u32 s1, $0xD;
	s1 =	sshrl.u32 s1, $0x2  }
0xba: {  	s3 =	sand.u32 $0x4000, s31;
	s1 =	sadd.s32 s1, s30  }
0xbb: {  	s0 =	sor.u32 s3, s0;
	s1 =	sshll.u32 s1, $0x11  }
0xbc: {  	s0 =	sor.u32 s1, s0  }
0xbd: {  	s0 =	sadd.s32 $0x8F2B, s0  }
0xbe: {  	[sflag:s0] =	ssyncadd.remote.s32 $0x1  }
0xbf: {  	_ =	sfence.sel $0xFFFF  }
0xc0: {  	[dreg:$0x0] =	wrdreg $0xFFFFFFFF;
	(pc) =	sbr.abs _section_cstart, $3  }
0xc1: {  	[dreg:$0x1] =	wrdreg $0xFFFFFFFF  }
0xc2: {  	_ =	task.clear_ibuf [dreg:s6], $0x2FFFF;
	_ =	strace $0x9FFFFFFF  }
0xc3: {  	(tm) =	ssettm $0x7FFFFFFF  }
tec
execute0_lowered:
.L_overlay_start_1:
0x0: {  	(tag) =	ssettag $0x1  }
0x1: {  	s6 =	rddreg [dreg:$0x0]  }
0x2: {  	s0 =	srdreg.scid;
	s1 =	rddreg [dreg:$0x1]  }
0x3: {  	s12 =	stileid.u32;
	s2 =	rddreg [dreg:$0x2];
	s3 =	simm.s32 $0x0  }
0x4: {  	s15 =	simm.s32 $0x2800;
	s16 =	simm.s32 $0x80;
	s17 =	simm.s32 $0x5000  }
0x5: {  	s18 =	simm.s32 $0x0;
	s5 =	sand.u32 $0x1, s0;
	s7 =	smul.u32 $0x280, s12  }
0x6: {  	[smem:$0x7FF] =	sst s3;
	s31 =	sshll.u32 s12, $0x6;
	s8 =	smul.u32 $0x2800, s5  }
0x7: {  	p0 =	sne.s32 s12, $0x0;
	s0 =	sshll.u32 s5, $0x4;
	s10 =	smul.u32 $0x280, s5  }
0x8: {  	s11 =	ssub.s32 $0x2, s5;
	s5 =	sadd.s32 $0x17400, s6;
	s0 =	sor.u32 s12, s0  }
0x9: {  	s30 =	sshrl.u32 s11, $0x1;
	s14 =	sadd.s32 s7, s1;
	s4 =	smul.u32 $0x500, s0  }
0xa: {  	s0 =	rddreg [dreg:$0x3];
	_ =	strace $0x80000047;
	s8 =	sadd.s32 s7, s8  }
0xb: {  	s10 =	sadd.s32 s10, s6;
	s11 =	ssub.s32 s11, s30;
	s12 =	sshrl.u32 s14, $0x3  }
0xc: {  	s14 =	sshrl.u32 @!p0 s2, $0x3;
	s8 =	sshrl.u32 s8, $0x3;
	s10 =	sadd.s32 $0x18400, s10  }
0xd: {  	s11 =	smax.u32 s11, $0x1;
	s9 =	sadd.s32 s4, s6;
	s4 =	sadd.s32 $0x17800, s6  }
0xe: {  	s13 =	sadd.s32 s8, s6;
	s6 =	sor.u32 $0x1C01, s31;
	s7 =	sadd.s32 $0xD400, s9  }
0xf: {  	v0 =	vimm.f32 $1.000000000e+00;
	s8 =	sadd.s32 $0x3400, s9;
	s9 =	sadd.s32 $0x17A00, s13;
	s13 =	simm.s32 $0x1  }
.LBB2_1:
0x10: {  	[spmem:s12], [sflag:s6] =	dma.local [hbm:s4], $0x50  }
0x11: {  	_ =	swait.ge [sflag:s13], $0x50  }
0x12: {  	[sflag:s13] =	ssyncset.done $0x0  }
0x13: {  	s19 =	simm.s32 @!p0 $0x1;
	[sflag:s13] =	ssyncadd.s32 $0xFFFFFFB0  }
0x14: {  	[spmem:s14], [sflag:s6] =	dma.local @!p0 [hbm:s5], $0x280  }
0x15: {  	_ =	swait.ge @!p0 [sflag:s19], $0x280  }
0x16: {  	[sflag:s19] =	ssyncset.done @!p0 $0x0  }
0x17: {  	[sflag:s19] =	ssyncadd.s32 @!p0 $0xFFFFFD80  }
0x18: {  	[tilespmem:s3], [sflag:$0x1] =	stream.linear.gather [hbm4b:s7+s3], $0x2800, $0x38;
	[tilespmem:$0x5440] =	vst v63  }
0x19: {  	_ =	swait.ge [sflag:s13], $0x2800  }
0x1a: {  	[sflag:s13] =	ssyncset.done $0x0  }
0x1b: {  	[sflag:s13] =	ssyncadd.s32 $0xFFFFD800  }
0x1c: {  	[tilespmem:s15], [sflag:$0x1] =	stream.linear.gather [hbm4b:s8+s3], $0x2800, $0x38;
	[tilespmem:$0x5440] =	vst v63  }
0x1d: {  	_ =	swait.ge [sflag:s13], $0x2800  }
0x1e: {  	[sflag:s13] =	ssyncset.done $0x0  }
0x1f: {  	[sflag:s13] =	ssyncadd.s32 $0xFFFFD800  }
0x20: {  	[tilespmem:$0x5000] =	vst v0  }
0x21: {  	[tilespmem:$0x5010] =	vst v0  }
0x22: {  	[tilespmem:$0x5020] =	vst v0  }
0x23: {  	[tilespmem:$0x5030] =	vst v0  }
0x24: {  	[tilespmem:$0x5040] =	vst v0  }
0x25: {  	[tilespmem:$0x5050] =	vst v0  }
0x26: {  	[tilespmem:$0x5060] =	vst v0  }
0x27: {  	[tilespmem:$0x5070] =	vst v0  }
0x28: {  	s30 =	simm.s32 $0x0;
	[bflag:$0x0] =	sbarrier.arrive $0xFFFF  }
0x29: {  	[spmem:s1] =	stream.indirect.scatter.add.f32 [tilespmem:s17], [sflag:$0x1], $0x1, s30, s16, $0xb8;
	[tilespmem:$0x5440] =	vst v63  }
0x2a: {  	_ =	swait.ge [sflag:s13], $0x80  }
0x2b: {  	[sflag:s13] =	ssyncset.done $0x0  }
0x2c: {  	s31 =	simm.s32 $0x2800;
	[sflag:s13] =	ssyncadd.s32 $0xFFFFFF80  }
0x2d: {  	[spmem:s2] =	stream.indirect.scatter.add.f32 [tilespmem:s17], [sflag:$0x1], $0x1, s31, s16, $0xb8;
	[tilespmem:$0x5440] =	vst v63  }
0x2e: {  	_ =	swait.ge [sflag:s13], $0x80  }
0x2f: {  	s20 =	simm.s32 $0x400;
	s19 =	simm.s32 $0x200;
	[sflag:s13] =	ssyncset.done $0x0  }
.LBB2_2:
0x30: {  	s21 =	sshra.s32 s19, $0x2  }
0x31: {  	[sflag:s13] =	ssyncadd.s32 $0xFFFFFF80;
	s19 =	smov.u32 s20;
	s22 =	sadd.s32 $0x200, s20  }
0x32: {  	[spmem:s1] =	stream.indirect.scatter.add.f32 [tilespmem:s17], [sflag:$0x1], $0x1, s21, s16, $0xb8;
	[tilespmem:$0x5440] =	vst v63  }
0x33: {  	p1 =	sne.s32 s20, $0x9E00;
	_ =	swait.ge [sflag:s13], $0x80  }
.Ltmp0:
0x34: {  	[sflag:s13] =	ssyncset.done $0x0;
	(pc) =	sbr.rel @p1 .LBB2_2-.Ltmp0, $4  }
0x35: {  	s20 =	sadd.s32 $0x2800, s21;
	[sflag:s13] =	ssyncadd.s32 $0xFFFFFF80  }
0x36: {  	[spmem:s2] =	stream.indirect.scatter.add.f32 [tilespmem:s17], [sflag:$0x1], $0x1, s20, s16, $0xb8;
	[tilespmem:$0x5440] =	vst v63  }
0x37: {  	_ =	swait.ge [sflag:s13], $0x80  }
0x38: {  	s20 =	smov.u32 s22;
	[sflag:s13] =	ssyncset.done $0x0  }
0x39: {  	s19 =	sshra.s32 s19, $0x2;
	[sflag:s13] =	ssyncadd.s32 $0xFFFFFF80  }
0x3a: {  	[spmem:s1] =	stream.indirect.scatter.add.f32 [tilespmem:s17], [sflag:$0x1], $0x1, s19, s16, $0xb8;
	[tilespmem:$0x5440] =	vst v63  }
0x3b: {  	_ =	swait.ge [sflag:s13], $0x80  }
0x3c: {  	[sflag:s13] =	ssyncset.done $0x0  }
0x3d: {  	s19 =	sadd.s32 $0x2800, s19;
	[sflag:s13] =	ssyncadd.s32 $0xFFFFFF80  }
0x3e: {  	[spmem:s2] =	stream.indirect.scatter.add.f32 [tilespmem:s17], [sflag:$0x1], $0x1, s19, s16, $0xb8;
	[tilespmem:$0x5440] =	vst v63  }
0x3f: {  	_ =	swait.ge [sflag:s13], $0x80  }
0x40: {  	[sflag:s13] =	ssyncset.done $0x0  }
0x41: {  	[sflag:s13] =	ssyncadd.s32 $0xFFFFFF80  }
0x42: {  	[bflag:$0x0] =	sbarrier.arrive $0xFFFF  }
0x43: {  	[hbm:s9], [sflag:s6] =	dma.local [spmem:s12], $0x50  }
0x44: {  	s18 =	sadd.s32 $0x1, s18;
	_ =	swait.ge [sflag:s13], $0x50  }
0x45: {  	p1 =	sne.s32 s18, s11;
	[sflag:s13] =	ssyncset.done $0x0  }
.Ltmp1:
0x46: {  	s19 =	simm.s32 @!p0 $0x1;
	[sflag:s13] =	ssyncadd.s32 $0xFFFFFFB0;
	(pc) =	sbr.rel @p1 .LBB2_1-.Ltmp1, $4  }
0x47: {  	[hbm:s10], [sflag:s6] =	dma.local @!p0 [spmem:s14], $0x280  }
0x48: {  	_ =	swait.ge @!p0 [sflag:s19], $0x280  }
0x49: {  	[sflag:s19] =	ssyncset.done @!p0 $0x0  }
0x4a: {  	[sflag:s19] =	ssyncadd.s32 @!p0 $0xFFFFFD80  }
0x4b: {  	_ =	sfence.sel $0x180000  }
0x4c: {  	[bflag:$0x0] =	sbarrier.arrive $0xFFFF  }
0x4d: {  	_ =	strace $0x90000047  }
0x4e: {  	s0 =	sadd.s32 @!p0 $0x100000, s0;
	[bflag:$0x2] =	sbarrier.arrive $0xFFFF  }
0x4f: {  	[sflag:s0] =	ssyncadd.tile.s32 @!p0 $0x1;
	_ =	shalt  }
.Lfunc_end2:
_tile_overlayer_lowered:
.L_overlay_start_2:
0x50: {  	(tag) =	ssettag $0x2  }
0x51: {  	s0 =	rddreg [dreg:$0x0];
	s2 =	stileid.u32  }
0x52: {  	s1 =	rddreg [dreg:$0x1];
	p0 =	sne.s32 s2, $0x0  }
0x53: {  	s3 =	rddreg [dreg:$0x2];
	[bflag:$0x3] =	sbarrier.arrive $0xFFFF;
	s2 =	simm.s32 @!p0 $0x1C01  }
0x54: {  	[timem:s3], [sflag:s2] =	dma.local @!p0 [hbm:s0], s1  }
0x55: {  	s0 =	simm.s32 @!p0 $0x1  }
0x56: {  	_ =	swait.ge @!p0 [sflag:s0], s1  }
0x57: {  	s1 =	ssub.s32 @!p0 $0x0, s1;
	[sflag:s0] =	ssyncset.done @!p0 $0x0  }
0x58: {  	[sflag:s0] =	ssyncadd.s32 @!p0 s1  }
0x59: {  	[bflag:$0x3] =	sbarrier.arrive $0xFFFF  }
0x5a: {  	_ =	shalt  }

</sc_bundles>
